<compile_context>
chip_gen: v7x
topology: tpu7x:2x2x1
jax: 0.10.2.dev20260603
libtpu: 0.0.44.dev20260713+nightly
codegen_flags: <defaults>
</compile_context>

<pallas_src>
import functools

import jax
import jax.numpy as jnp
from jax import lax
from jax.experimental import pallas as pl
from jax.experimental.pallas import tpu as pltpu
from jax.experimental.pallas import tpu_sc as plsc

TOTAL_TOKENS = 32768
NUM_PATCHES = 2048
EMBED_DIM = 1024
PATCH_DIM = 512
VOCAB = 256

NC = 2
NS = 16
LANES = 16

TPW = TOTAL_TOKENS // (NC * NS)
HWORDS = NUM_PATCHES * (VOCAB // 2)
HSLICE = HWORDS // NS
SCHUNK = 128


ZBUF = 2048


def _hist_body(seg_hbm, byte_hbm, out_hbm,
               seg_v, byte_v, idx_v, val_v, zbuf_v, hist_sh, dma_sem):
    cid = lax.axis_index("c")
    sid = lax.axis_index("s")
    base = (cid * NS + sid) * TPW

    def _zb(i, _):
        zbuf_v[pl.ds(i * LANES, LANES)] = jnp.zeros((LANES,), jnp.float32)
        return 0

    lax.fori_loop(0, ZBUF // LANES, _zb, 0)
    zdescs = [pltpu.async_copy(zbuf_v,
                               hist_sh.at[pl.ds(sid * HSLICE + i * ZBUF,
                                                ZBUF)],
                               dma_sem)
              for i in range(HSLICE // ZBUF)]
    pltpu.sync_copy(seg_hbm.at[pl.ds(base, TPW)], seg_v)
    pltpu.sync_copy(byte_hbm.at[pl.ds(base, TPW)], byte_v)

    def _mk(i, _):
        j = i // (SCHUNK // LANES)
        k = i % (SCHUNK // LANES)
        off = i * LANES
        seg16 = seg_v[pl.ds(off, LANES)]
        byt16 = byte_v[pl.ds(off, LANES)]
        idx_v[j, pl.ds(k * LANES, LANES)] = (
            seg16 * (VOCAB // 2) + (byt16 & (VOCAB // 2 - 1)))
        val_v[j, pl.ds(k * LANES, LANES)] = (
            1 + lax.shift_right_logical(byt16, 7) * 65535
        ).astype(jnp.float32)
        return 0

    lax.fori_loop(0, TPW // LANES, _mk, 0)

    for d in zdescs:
        d.wait()
    plsc.subcore_barrier()

    descs = [pltpu.async_copy(val_v.at[j], hist_sh.at[idx_v.at[j]], dma_sem,
                              add=True)
             for j in range(TPW // SCHUNK)]
    for d in descs:
        d.wait()

    plsc.subcore_barrier()

    pltpu.sync_copy(hist_sh.at[pl.ds(sid * HSLICE, HSLICE)],
                    out_hbm.at[cid, sid])


_hist_kernel = functools.partial(
    pl.kernel,
    out_type=jax.ShapeDtypeStruct((NC, NS, HSLICE), jnp.float32),
    mesh=plsc.VectorSubcoreMesh(core_axis_name="c", subcore_axis_name="s",
                                num_cores=NC, num_subcores=NS),
    scratch_types=[
        pltpu.VMEM((TPW,), jnp.int32),
        pltpu.VMEM((TPW,), jnp.int32),
        pltpu.VMEM((TPW // SCHUNK, SCHUNK), jnp.int32),
        pltpu.VMEM((TPW // SCHUNK, SCHUNK), jnp.float32),
        pltpu.VMEM((ZBUF,), jnp.float32),
        pltpu.VMEM_SHARED((HWORDS,), jnp.float32),
        pltpu.SemaphoreType.DMA,
    ],
)(_hist_body)


def _ew_body(e_ref, w_ref, oe_ref, oo_ref):
    oe_ref[...] = jnp.dot(e_ref[pl.ds(0, VOCAB // 2), :], w_ref[...],
                          preferred_element_type=jnp.float32,
                          precision=lax.Precision.HIGHEST)
    oo_ref[...] = jnp.dot(e_ref[pl.ds(VOCAB // 2, VOCAB // 2), :], w_ref[...],
                          preferred_element_type=jnp.float32,
                          precision=lax.Precision.HIGHEST)


PBLK = 1024
GRID = NUM_PATCHES // PBLK
ROWS_PER_BLK = NS // GRID


def _encode_body(ewe_ref, ewo_ref, b_ref, h_ref, o_ref):
    hs = h_ref[0] + h_ref[1]
    p = hs.reshape(PBLK, VOCAB // 2).astype(jnp.int32)
    lo = (p & 0xFFFF).astype(jnp.float32)
    hi = lax.shift_right_logical(p, 16).astype(jnp.float32)
    counts = (jnp.sum(lo, axis=1, keepdims=True)
              + jnp.sum(hi, axis=1, keepdims=True))
    acc = (jnp.dot(lo, ewe_ref[...], preferred_element_type=jnp.float32)
           + jnp.dot(hi, ewo_ref[...], preferred_element_type=jnp.float32))
    o_ref[...] = acc / jnp.maximum(counts, 1.0) + b_ref[...]


def kernel(byte_ids, segment_ids, emb_table, W, b):
    ew_even, ew_odd = pl.pallas_call(
        _ew_body,
        out_shape=(
            jax.ShapeDtypeStruct((VOCAB // 2, PATCH_DIM), jnp.float32),
            jax.ShapeDtypeStruct((VOCAB // 2, PATCH_DIM), jnp.float32),
        ),
    )(emb_table, W)
    h_packed = _hist_kernel(segment_ids, byte_ids)
    encoded = pl.pallas_call(
        _encode_body,
        grid=(GRID,),
        in_specs=[
            pl.BlockSpec((VOCAB // 2, PATCH_DIM), lambda i: (0, 0)),
            pl.BlockSpec((VOCAB // 2, PATCH_DIM), lambda i: (0, 0)),
            pl.BlockSpec((1, PATCH_DIM), lambda i: (0, 0)),
            pl.BlockSpec((NC, ROWS_PER_BLK, HSLICE), lambda i: (0, i, 0)),
        ],
        out_specs=pl.BlockSpec((PBLK, PATCH_DIM), lambda i: (i, 0)),
        out_shape=jax.ShapeDtypeStruct((NUM_PATCHES, PATCH_DIM), jnp.float32),
    )(ew_even, ew_odd, b.reshape(1, PATCH_DIM), h_packed)
    return encoded[None]

# --- scband reference (transcript-rebuilt; emitter-appended) ---
"""Pipeline reference for scband-pdfencoder-14800457302116 (READ-ONLY COPY).

The authoritative reference and input builder live on the scoring server;
editing this copy changes nothing except your own understanding.
"""

import jax, jax.numpy as jnp
import numpy as np

TOTAL_TOKENS = 32768
NUM_PATCHES = 2048
EMBED_DIM = 1024
PATCH_DIM = 512


def setup_inputs(seed: int = 0) -> dict:
    key = jax.random.key(seed)
    k1, k2, k3, k4 = jax.random.split(key, 4)
    byte_ids = jax.random.randint(k1, (TOTAL_TOKENS,), 0, 256, dtype=jnp.int32)
    segment_ids = jnp.sort(jax.random.randint(k2, (TOTAL_TOKENS,), 0, NUM_PATCHES, dtype=jnp.int32))
    emb_table = jax.random.normal(k3, (256, EMBED_DIM), dtype=jnp.float32) * 0.02
    W = jax.random.normal(k4, (EMBED_DIM, PATCH_DIM), dtype=jnp.float32) * (1.0 / np.sqrt(EMBED_DIM))
    b = jnp.zeros((PATCH_DIM,), dtype=jnp.float32)
    return {"byte_ids": byte_ids, "segment_ids": segment_ids, "emb_table": emb_table, "W": W, "b": b}


def reference(byte_ids, segment_ids, emb_table, W, b):
    # byte embedding lookup (gather)
    x = jnp.take(emb_table, byte_ids, axis=0)  # [T, embed_dim]
    # per-patch mean of byte embeddings (ragged segment mean)
    sums = jax.ops.segment_sum(x, segment_ids, num_segments=NUM_PATCHES)  # [P, embed_dim]
    counts = jax.ops.segment_sum(jnp.ones((x.shape[0], 1), dtype=x.dtype), segment_ids, num_segments=NUM_PATCHES)  # [P, 1]
    patch_embedding = sums / jnp.maximum(counts, 1.0)
    # linear patch encoder
    encoded = patch_embedding @ W + b  # [P, patch_dim]
    # original module returns shape [1, num_patches, patch_dim]
    return encoded[None, :, :]

if __name__ == "__main__":
    import jax
    _d = setup_inputs()
    print(jax.jit(kernel)(*tuple(_d.values())))

</pallas_src>

<mosaic_0001>
#map = affine_map<(d0, d1) -> (0)>
#map1 = affine_map<(d0, d1) -> (0, 0, 0)>
module attributes {stable_mosaic.version = 14 : i64} {
  func.func @_hist_body(%arg0: i32, %arg1: i32, %arg2: memref<32768xi32, #tpu.memory_space<hbm>>, %arg3: memref<32768xi32, #tpu.memory_space<hbm>>, %arg4: memref<2x16x16384xf32, #tpu.memory_space<hbm>>, %arg5: memref<1024xi32, #tpu.memory_space<vmem>>, %arg6: memref<1024xi32, #tpu.memory_space<vmem>>, %arg7: memref<8x128xi32, #tpu.memory_space<vmem>>, %arg8: memref<8x128xf32, #tpu.memory_space<vmem>>, %arg9: memref<2048xf32, #tpu.memory_space<vmem>>, %arg10: memref<262144xf32, #tpu.memory_space<vmem_shared>>, %arg11: memref<!tpu.dma_semaphore, #tpu.memory_space<semaphore_mem>>) attributes {dimension_semantics = [#tpu.dimension_semantics<core_parallel>, #tpu.dimension_semantics<subcore_parallel>], iteration_bounds = array<i64: 2, 16>, scalar_prefetch = 0 : i64, scratch_operands = 7 : i64, tpu.core_type = #tpu.core_type<sc_vector_subcore>, window_params = [{transform_indices = #map}, {transform_indices = #map}, {transform_indices = #map1}]} {
    %mul3A = arith.constant 16 : i32
    %mul3A_0 = arith.muli %arg0, %mul3A : i32
    %add3A = arith.addi %mul3A_0, %arg1 : i32
    %mul3A_1 = arith.constant 1024 : i32
    %mul3A_2 = arith.muli %add3A, %mul3A_1 : i32
    %scan3A = arith.constant 0 : i32
    %scan3A_3 = arith.constant 0 : i32
    %scan3A_4 = arith.constant 128 : i32
    %scan3A_5 = arith.addi %scan3A_3, %scan3A_4 : i32
    %scan3A_6 = arith.constant 1 : i32
    %scan3A_7 = scf.for %scan3A_241 = %scan3A_3 to %scan3A_5 step %scan3A_6 iter_args(%scan3A_242 = %scan3A) -> (i32)  : i32 {
      %broadcast_in_dim3A = arith.constant 0.000000e+00 : f32
      %broadcast_in_dim3A_243 = vector.broadcast %broadcast_in_dim3A : f32 to vector<16xf32>
      %mul3A_244 = arith.constant 16 : i32
      %mul3A_245 = arith.muli %scan3A_241, %mul3A_244 : i32
      %swap3A = arith.index_cast %mul3A_245 : i32 to index
      %swap3A_246 = tpu.vector_load %arg9[%swap3A] {strides = array<i32>} : memref<2048xf32, #tpu.memory_space<vmem>>, vector<16xf32>,
      %swap3A_247 = vector.shape_cast %swap3A_246 : vector<16xf32> to vector<16xf32>
      %swap3A_248 = vector.shape_cast %broadcast_in_dim3A_243 : vector<16xf32> to vector<16xf32>
      tpu.vector_store %arg9[%swap3A], %swap3A_248 {strides = array<i32>} : memref<2048xf32, #tpu.memory_space<vmem>>, vector<16xf32>,
      %scan3A_249 = arith.constant 0 : i32
      scf.yield %scan3A_249 : i32
    }
    %scan3A_8 = arith.constant 128 : i32
    %mul3A_9 = arith.constant 16384 : i32
    %mul3A_10 = arith.muli %arg1, %mul3A_9 : i32
    %add3A_11 = arith.constant 0 : i32
    %add3A_12 = arith.addi %mul3A_10, %add3A_11 : i32
    %dma_start3A = tpu.memref_slice %arg10[%add3A_12] : memref<262144xf32, #tpu.memory_space<vmem_shared>> -> memref<2048xf32, #tpu.memory_space<vmem_shared>>
    %dma_start3A_13 = tpu.memref_slice %arg10[%add3A_12] : memref<262144xf32, #tpu.memory_space<vmem_shared>> -> memref<2048xf32, #tpu.memory_space<vmem_shared>>
    tpu.enqueue_dma source(%arg9 : memref<2048xf32, #tpu.memory_space<vmem>>) target(%dma_start3A_13 : memref<2048xf32, #tpu.memory_space<vmem_shared>>) target_semaphore(%arg11 : memref<!tpu.dma_semaphore, #tpu.memory_space<semaphore_mem>>)
    %mul3A_14 = arith.constant 16384 : i32
    %mul3A_15 = arith.muli %arg1, %mul3A_14 : i32
    %add3A_16 = arith.constant 2048 : i32
    %add3A_17 = arith.addi %mul3A_15, %add3A_16 : i32
    %dma_start3A_18 = tpu.memref_slice %arg10[%add3A_17] : memref<262144xf32, #tpu.memory_space<vmem_shared>> -> memref<2048xf32, #tpu.memory_space<vmem_shared>>
    %dma_start3A_19 = tpu.memref_slice %arg10[%add3A_17] : memref<262144xf32, #tpu.memory_space<vmem_shared>> -> memref<2048xf32, #tpu.memory_space<vmem_shared>>
    tpu.enqueue_dma source(%arg9 : memref<2048xf32, #tpu.memory_space<vmem>>) target(%dma_start3A_19 : memref<2048xf32, #tpu.memory_space<vmem_shared>>) target_semaphore(%arg11 : memref<!tpu.dma_semaphore, #tpu.memory_space<semaphore_mem>>)
    %mul3A_20 = arith.constant 16384 : i32
    %mul3A_21 = arith.muli %arg1, %mul3A_20 : i32
    %add3A_22 = arith.constant 4096 : i32
    %add3A_23 = arith.addi %mul3A_21, %add3A_22 : i32
    %dma_start3A_24 = tpu.memref_slice %arg10[%add3A_23] : memref<262144xf32, #tpu.memory_space<vmem_shared>> -> memref<2048xf32, #tpu.memory_space<vmem_shared>>
    %dma_start3A_25 = tpu.memref_slice %arg10[%add3A_23] : memref<262144xf32, #tpu.memory_space<vmem_shared>> -> memref<2048xf32, #tpu.memory_space<vmem_shared>>
    tpu.enqueue_dma source(%arg9 : memref<2048xf32, #tpu.memory_space<vmem>>) target(%dma_start3A_25 : memref<2048xf32, #tpu.memory_space<vmem_shared>>) target_semaphore(%arg11 : memref<!tpu.dma_semaphore, #tpu.memory_space<semaphore_mem>>)
    %mul3A_26 = arith.constant 16384 : i32
    %mul3A_27 = arith.muli %arg1, %mul3A_26 : i32
    %add3A_28 = arith.constant 6144 : i32
    %add3A_29 = arith.addi %mul3A_27, %add3A_28 : i32
    %dma_start3A_30 = tpu.memref_slice %arg10[%add3A_29] : memref<262144xf32, #tpu.memory_space<vmem_shared>> -> memref<2048xf32, #tpu.memory_space<vmem_shared>>
    %dma_start3A_31 = tpu.memref_slice %arg10[%add3A_29] : memref<262144xf32, #tpu.memory_space<vmem_shared>> -> memref<2048xf32, #tpu.memory_space<vmem_shared>>
    tpu.enqueue_dma source(%arg9 : memref<2048xf32, #tpu.memory_space<vmem>>) target(%dma_start3A_31 : memref<2048xf32, #tpu.memory_space<vmem_shared>>) target_semaphore(%arg11 : memref<!tpu.dma_semaphore, #tpu.memory_space<semaphore_mem>>)
    %mul3A_32 = arith.constant 16384 : i32
    %mul3A_33 = arith.muli %arg1, %mul3A_32 : i32
    %add3A_34 = arith.constant 8192 : i32
    %add3A_35 = arith.addi %mul3A_33, %add3A_34 : i32
    %dma_start3A_36 = tpu.memref_slice %arg10[%add3A_35] : memref<262144xf32, #tpu.memory_space<vmem_shared>> -> memref<2048xf32, #tpu.memory_space<vmem_shared>>
    %dma_start3A_37 = tpu.memref_slice %arg10[%add3A_35] : memref<262144xf32, #tpu.memory_space<vmem_shared>> -> memref<2048xf32, #tpu.memory_space<vmem_shared>>
    tpu.enqueue_dma source(%arg9 : memref<2048xf32, #tpu.memory_space<vmem>>) target(%dma_start3A_37 : memref<2048xf32, #tpu.memory_space<vmem_shared>>) target_semaphore(%arg11 : memref<!tpu.dma_semaphore, #tpu.memory_space<semaphore_mem>>)
    %mul3A_38 = arith.constant 16384 : i32
    %mul3A_39 = arith.muli %arg1, %mul3A_38 : i32
    %add3A_40 = arith.constant 10240 : i32
    %add3A_41 = arith.addi %mul3A_39, %add3A_40 : i32
    %dma_start3A_42 = tpu.memref_slice %arg10[%add3A_41] : memref<262144xf32, #tpu.memory_space<vmem_shared>> -> memref<2048xf32, #tpu.memory_space<vmem_shared>>
    %dma_start3A_43 = tpu.memref_slice %arg10[%add3A_41] : memref<262144xf32, #tpu.memory_space<vmem_shared>> -> memref<2048xf32, #tpu.memory_space<vmem_shared>>
    tpu.enqueue_dma source(%arg9 : memref<2048xf32, #tpu.memory_space<vmem>>) target(%dma_start3A_43 : memref<2048xf32, #tpu.memory_space<vmem_shared>>) target_semaphore(%arg11 : memref<!tpu.dma_semaphore, #tpu.memory_space<semaphore_mem>>)
    %mul3A_44 = arith.constant 16384 : i32
    %mul3A_45 = arith.muli %arg1, %mul3A_44 : i32
    %add3A_46 = arith.constant 12288 : i32
    %add3A_47 = arith.addi %mul3A_45, %add3A_46 : i32
    %dma_start3A_48 = tpu.memref_slice %arg10[%add3A_47] : memref<262144xf32, #tpu.memory_space<vmem_shared>> -> memref<2048xf32, #tpu.memory_space<vmem_shared>>
    %dma_start3A_49 = tpu.memref_slice %arg10[%add3A_47] : memref<262144xf32, #tpu.memory_space<vmem_shared>> -> memref<2048xf32, #tpu.memory_space<vmem_shared>>
    tpu.enqueue_dma source(%arg9 : memref<2048xf32, #tpu.memory_space<vmem>>) target(%dma_start3A_49 : memref<2048xf32, #tpu.memory_space<vmem_shared>>) target_semaphore(%arg11 : memref<!tpu.dma_semaphore, #tpu.memory_space<semaphore_mem>>)
    %mul3A_50 = arith.constant 16384 : i32
    %mul3A_51 = arith.muli %arg1, %mul3A_50 : i32
    %add3A_52 = arith.constant 14336 : i32
    %add3A_53 = arith.addi %mul3A_51, %add3A_52 : i32
    %dma_start3A_54 = tpu.memref_slice %arg10[%add3A_53] : memref<262144xf32, #tpu.memory_space<vmem_shared>> -> memref<2048xf32, #tpu.memory_space<vmem_shared>>
    %dma_start3A_55 = tpu.memref_slice %arg10[%add3A_53] : memref<262144xf32, #tpu.memory_space<vmem_shared>> -> memref<2048xf32, #tpu.memory_space<vmem_shared>>
    tpu.enqueue_dma source(%arg9 : memref<2048xf32, #tpu.memory_space<vmem>>) target(%dma_start3A_55 : memref<2048xf32, #tpu.memory_space<vmem_shared>>) target_semaphore(%arg11 : memref<!tpu.dma_semaphore, #tpu.memory_space<semaphore_mem>>)
    "tpu.region"() ({
      %run_scoped3A = tpu.sem_alloc : memref<!tpu.dma_semaphore, #tpu.memory_space<semaphore_mem>>
      %dma_start3A_241 = tpu.memref_slice %arg2[%mul3A_2] : memref<32768xi32, #tpu.memory_space<hbm>> -> memref<1024xi32, #tpu.memory_space<hbm>>
      %dma_start3A_242 = tpu.memref_slice %arg2[%mul3A_2] : memref<32768xi32, #tpu.memory_space<hbm>> -> memref<1024xi32, #tpu.memory_space<hbm>>
      tpu.enqueue_dma source(%dma_start3A_242 : memref<1024xi32, #tpu.memory_space<hbm>>) target(%arg5 : memref<1024xi32, #tpu.memory_space<vmem>>) target_semaphore(%run_scoped3A : memref<!tpu.dma_semaphore, #tpu.memory_space<semaphore_mem>>)
      %dma_wait3A_243 = tpu.memref_slice %arg2[%mul3A_2] : memref<32768xi32, #tpu.memory_space<hbm>> -> memref<1024xi32, #tpu.memory_space<hbm>>
      %dma_wait3A_244 = tpu.memref_slice %arg2[%mul3A_2] : memref<32768xi32, #tpu.memory_space<hbm>> -> memref<1024xi32, #tpu.memory_space<hbm>>
      tpu.wait_dma2 semaphore(%run_scoped3A : memref<!tpu.dma_semaphore, #tpu.memory_space<semaphore_mem>>) src(%dma_wait3A_244 : memref<1024xi32, #tpu.memory_space<hbm>>) dst(%arg5 : memref<1024xi32, #tpu.memory_space<vmem>>)
      tpu.yield
    }) : () -> ()
    "tpu.region"() ({
      %run_scoped3A = tpu.sem_alloc : memref<!tpu.dma_semaphore, #tpu.memory_space<semaphore_mem>>
      %dma_start3A_241 = tpu.memref_slice %arg3[%mul3A_2] : memref<32768xi32, #tpu.memory_space<hbm>> -> memref<1024xi32, #tpu.memory_space<hbm>>
      %dma_start3A_242 = tpu.memref_slice %arg3[%mul3A_2] : memref<32768xi32, #tpu.memory_space<hbm>> -> memref<1024xi32, #tpu.memory_space<hbm>>
      tpu.enqueue_dma source(%dma_start3A_242 : memref<1024xi32, #tpu.memory_space<hbm>>) target(%arg6 : memref<1024xi32, #tpu.memory_space<vmem>>) target_semaphore(%run_scoped3A : memref<!tpu.dma_semaphore, #tpu.memory_space<semaphore_mem>>)
      %dma_wait3A_243 = tpu.memref_slice %arg3[%mul3A_2] : memref<32768xi32, #tpu.memory_space<hbm>> -> memref<1024xi32, #tpu.memory_space<hbm>>
      %dma_wait3A_244 = tpu.memref_slice %arg3[%mul3A_2] : memref<32768xi32, #tpu.memory_space<hbm>> -> memref<1024xi32, #tpu.memory_space<hbm>>
      tpu.wait_dma2 semaphore(%run_scoped3A : memref<!tpu.dma_semaphore, #tpu.memory_space<semaphore_mem>>) src(%dma_wait3A_244 : memref<1024xi32, #tpu.memory_space<hbm>>) dst(%arg6 : memref<1024xi32, #tpu.memory_space<vmem>>)
      tpu.yield
    }) : () -> ()
    %scan3A_56 = arith.constant 0 : i32
    %scan3A_57 = arith.constant 0 : i32
    %scan3A_58 = arith.constant 64 : i32
    %scan3A_59 = arith.addi %scan3A_57, %scan3A_58 : i32
    %scan3A_60 = arith.constant 1 : i32
    %scan3A_61 = scf.for %scan3A_241 = %scan3A_57 to %scan3A_59 step %scan3A_60 iter_args(%scan3A_242 = %scan3A_56) -> (i32)  : i32 {
      %jit3A = arith.constant 8 : i32
      %div3A = arith.divsi %scan3A_241, %jit3A : i32
      %sign3A = arith.constant 0 : i32
      %sign3A_243 = arith.cmpi sgt, %scan3A_241, %sign3A : i32
      %sign3A_244 = arith.extui %sign3A_243 : i1 to i32
      %sign3A_245 = arith.constant 0 : i32
      %sign3A_246 = arith.cmpi slt, %scan3A_241, %sign3A_245 : i32
      %sign3A_247 = arith.extui %sign3A_246 : i1 to i32
      %sign3A_248 = arith.subi %sign3A_244, %sign3A_247 : i32
      %sign3A_249 = arith.constant 0 : i32
      %sign3A_250 = arith.cmpi sgt, %jit3A, %sign3A_249 : i32
      %sign3A_251 = arith.extui %sign3A_250 : i1 to i32
      %sign3A_252 = arith.constant 0 : i32
      %sign3A_253 = arith.cmpi slt, %jit3A, %sign3A_252 : i32
      %sign3A_254 = arith.extui %sign3A_253 : i1 to i32
      %sign3A_255 = arith.subi %sign3A_251, %sign3A_254 : i32
      %ne3A = arith.cmpi ne, %sign3A_248, %sign3A_255 : i32
      %rem3A = arith.remsi %scan3A_241, %jit3A : i32
      %ne3A_256 = arith.constant 0 : i32
      %ne3A_257 = arith.cmpi ne, %rem3A, %ne3A_256 : i32
      %and3A = arith.andi %ne3A, %ne3A_257 : i1
      %sub3A = arith.constant 1 : i32
      %sub3A_258 = arith.subi %div3A, %sub3A : i32
      %select_n3A = arith.select %and3A, %sub3A_258, %div3A : i32
      %jit3A_259 = arith.constant 8 : i32
      %eq3A = arith.constant 0 : i32
      %eq3A_260 = arith.cmpi eq, %jit3A_259, %eq3A : i32
      %jit3A_261 = arith.constant 1 : i32
      %select_n3A_262 = arith.select %eq3A_260, %jit3A_261, %jit3A_259 : i32
      %rem3A_263 = arith.remsi %scan3A_241, %select_n3A_262 : i32
      %ne3A_264 = arith.constant 0 : i32
      %ne3A_265 = arith.cmpi ne, %rem3A_263, %ne3A_264 : i32
      %lt3A = arith.constant 0 : i32
      %lt3A_266 = arith.cmpi slt, %rem3A_263, %lt3A : i32
      %lt3A_267 = arith.constant 0 : i32
      %lt3A_268 = arith.cmpi slt, %select_n3A_262, %lt3A_267 : i32
      %ne3A_269 = arith.xori %lt3A_266, %lt3A_268 : i1
      %and3A_270 = arith.andi %ne3A_269, %ne3A_265 : i1
      %add3A_271 = arith.addi %rem3A_263, %select_n3A_262 : i32
      %select_n3A_272 = arith.select %and3A_270, %add3A_271, %rem3A_263 : i32
      %mul3A_273 = arith.constant 16 : i32
      %mul3A_274 = arith.muli %scan3A_241, %mul3A_273 : i32
      %get3A = arith.index_cast %mul3A_274 : i32 to index
      %get3A_275 = tpu.vector_load %arg5[%get3A] {strides = array<i32>} : memref<1024xi32, #tpu.memory_space<vmem>>, vector<16xi32>,
      %get3A_276 = vector.shape_cast %get3A_275 : vector<16xi32> to vector<16xi32>
      %get3A_277 = arith.index_cast %mul3A_274 : i32 to index
      %get3A_278 = tpu.vector_load %arg6[%get3A_277] {strides = array<i32>} : memref<1024xi32, #tpu.memory_space<vmem>>, vector<16xi32>,
      %get3A_279 = vector.shape_cast %get3A_278 : vector<16xi32> to vector<16xi32>
      %mul3A_280 = arith.constant 128 : i32
      %mul3A_281 = vector.broadcast %mul3A_280 : i32 to vector<16xi32>
      %mul3A_282 = arith.muli %get3A_276, %mul3A_281 : vector<16xi32>
      %and3A_283 = arith.constant 127 : i32
      %and3A_284 = vector.broadcast %and3A_283 : i32 to vector<16xi32>
      %and3A_285 = arith.andi %get3A_279, %and3A_284 : vector<16xi32>
      %add3A_286 = arith.addi %mul3A_282, %and3A_285 : vector<16xi32>
      %mul3A_287 = arith.constant 16 : i32
      %mul3A_288 = arith.muli %select_n3A_272, %mul3A_287 : i32
      %swap3A = arith.index_cast %select_n3A : i32 to index
      %swap3A_289 = arith.index_cast %mul3A_288 : i32 to index
      %swap3A_290 = tpu.vector_load %arg7[%swap3A, %swap3A_289] {strides = array<i32>} : memref<8x128xi32, #tpu.memory_space<vmem>>, vector<1x16xi32>,
      %swap3A_291 = vector.shape_cast %swap3A_290 : vector<1x16xi32> to vector<16xi32>
      %swap3A_292 = vector.shape_cast %add3A_286 : vector<16xi32> to vector<1x16xi32>
      tpu.vector_store %arg7[%swap3A, %swap3A_289], %swap3A_292 {strides = array<i32>} : memref<8x128xi32, #tpu.memory_space<vmem>>, vector<1x16xi32>,
      %shift_right_logical3A = arith.constant 7 : i32
      %shift_right_logical3A_293 = vector.broadcast %shift_right_logical3A : i32 to vector<16xi32>
      %shift_right_logical3A_294 = arith.shrui %get3A_279, %shift_right_logical3A_293 : vector<16xi32>
      %mul3A_295 = arith.constant 65535 : i32
      %mul3A_296 = vector.broadcast %mul3A_295 : i32 to vector<16xi32>
      %mul3A_297 = arith.muli %shift_right_logical3A_294, %mul3A_296 : vector<16xi32>
      %add3A_298 = arith.constant 1 : i32
      %add3A_299 = vector.broadcast %add3A_298 : i32 to vector<16xi32>
      %add3A_300 = arith.addi %add3A_299, %mul3A_297 : vector<16xi32>
      %convert_element_type3A = arith.sitofp %add3A_300 : vector<16xi32> to vector<16xf32>
      %mul3A_301 = arith.constant 16 : i32
      %mul3A_302 = arith.muli %select_n3A_272, %mul3A_301 : i32
      %swap3A_303 = arith.index_cast %select_n3A : i32 to index
      %swap3A_304 = arith.index_cast %mul3A_302 : i32 to index
      %swap3A_305 = tpu.vector_load %arg8[%swap3A_303, %swap3A_304] {strides = array<i32>} : memref<8x128xf32, #tpu.memory_space<vmem>>, vector<1x16xf32>,
      %swap3A_306 = vector.shape_cast %swap3A_305 : vector<1x16xf32> to vector<16xf32>
      %swap3A_307 = vector.shape_cast %convert_element_type3A : vector<16xf32> to vector<1x16xf32>
      tpu.vector_store %arg8[%swap3A_303, %swap3A_304], %swap3A_307 {strides = array<i32>} : memref<8x128xf32, #tpu.memory_space<vmem>>, vector<1x16xf32>,
      %scan3A_308 = arith.constant 0 : i32
      scf.yield %scan3A_308 : i32
    }
    %scan3A_62 = arith.constant 64 : i32
    %dma_wait3A = tpu.memref_slice %arg10[%add3A_12] : memref<262144xf32, #tpu.memory_space<vmem_shared>> -> memref<2048xf32, #tpu.memory_space<vmem_shared>>
    %dma_wait3A_63 = tpu.memref_slice %arg10[%add3A_12] : memref<262144xf32, #tpu.memory_space<vmem_shared>> -> memref<2048xf32, #tpu.memory_space<vmem_shared>>
    tpu.wait_dma2 semaphore(%arg11 : memref<!tpu.dma_semaphore, #tpu.memory_space<semaphore_mem>>) src(%arg9 : memref<2048xf32, #tpu.memory_space<vmem>>) dst(%dma_wait3A_63 : memref<2048xf32, #tpu.memory_space<vmem_shared>>)
    %dma_wait3A_64 = tpu.memref_slice %arg10[%add3A_17] : memref<262144xf32, #tpu.memory_space<vmem_shared>> -> memref<2048xf32, #tpu.memory_space<vmem_shared>>
    %dma_wait3A_65 = tpu.memref_slice %arg10[%add3A_17] : memref<262144xf32, #tpu.memory_space<vmem_shared>> -> memref<2048xf32, #tpu.memory_space<vmem_shared>>
    tpu.wait_dma2 semaphore(%arg11 : memref<!tpu.dma_semaphore, #tpu.memory_space<semaphore_mem>>) src(%arg9 : memref<2048xf32, #tpu.memory_space<vmem>>) dst(%dma_wait3A_65 : memref<2048xf32, #tpu.memory_space<vmem_shared>>)
    %dma_wait3A_66 = tpu.memref_slice %arg10[%add3A_23] : memref<262144xf32, #tpu.memory_space<vmem_shared>> -> memref<2048xf32, #tpu.memory_space<vmem_shared>>
    %dma_wait3A_67 = tpu.memref_slice %arg10[%add3A_23] : memref<262144xf32, #tpu.memory_space<vmem_shared>> -> memref<2048xf32, #tpu.memory_space<vmem_shared>>
    tpu.wait_dma2 semaphore(%arg11 : memref<!tpu.dma_semaphore, #tpu.memory_space<semaphore_mem>>) src(%arg9 : memref<2048xf32, #tpu.memory_space<vmem>>) dst(%dma_wait3A_67 : memref<2048xf32, #tpu.memory_space<vmem_shared>>)
    %dma_wait3A_68 = tpu.memref_slice %arg10[%add3A_29] : memref<262144xf32, #tpu.memory_space<vmem_shared>> -> memref<2048xf32, #tpu.memory_space<vmem_shared>>
    %dma_wait3A_69 = tpu.memref_slice %arg10[%add3A_29] : memref<262144xf32, #tpu.memory_space<vmem_shared>> -> memref<2048xf32, #tpu.memory_space<vmem_shared>>
    tpu.wait_dma2 semaphore(%arg11 : memref<!tpu.dma_semaphore, #tpu.memory_space<semaphore_mem>>) src(%arg9 : memref<2048xf32, #tpu.memory_space<vmem>>) dst(%dma_wait3A_69 : memref<2048xf32, #tpu.memory_space<vmem_shared>>)
    %dma_wait3A_70 = tpu.memref_slice %arg10[%add3A_35] : memref<262144xf32, #tpu.memory_space<vmem_shared>> -> memref<2048xf32, #tpu.memory_space<vmem_shared>>
    %dma_wait3A_71 = tpu.memref_slice %arg10[%add3A_35] : memref<262144xf32, #tpu.memory_space<vmem_shared>> -> memref<2048xf32, #tpu.memory_space<vmem_shared>>
    tpu.wait_dma2 semaphore(%arg11 : memref<!tpu.dma_semaphore, #tpu.memory_space<semaphore_mem>>) src(%arg9 : memref<2048xf32, #tpu.memory_space<vmem>>) dst(%dma_wait3A_71 : memref<2048xf32, #tpu.memory_space<vmem_shared>>)
    %dma_wait3A_72 = tpu.memref_slice %arg10[%add3A_41] : memref<262144xf32, #tpu.memory_space<vmem_shared>> -> memref<2048xf32, #tpu.memory_space<vmem_shared>>
    %dma_wait3A_73 = tpu.memref_slice %arg10[%add3A_41] : memref<262144xf32, #tpu.memory_space<vmem_shared>> -> memref<2048xf32, #tpu.memory_space<vmem_shared>>
    tpu.wait_dma2 semaphore(%arg11 : memref<!tpu.dma_semaphore, #tpu.memory_space<semaphore_mem>>) src(%arg9 : memref<2048xf32, #tpu.memory_space<vmem>>) dst(%dma_wait3A_73 : memref<2048xf32, #tpu.memory_space<vmem_shared>>)
    %dma_wait3A_74 = tpu.memref_slice %arg10[%add3A_47] : memref<262144xf32, #tpu.memory_space<vmem_shared>> -> memref<2048xf32, #tpu.memory_space<vmem_shared>>
    %dma_wait3A_75 = tpu.memref_slice %arg10[%add3A_47] : memref<262144xf32, #tpu.memory_space<vmem_shared>> -> memref<2048xf32, #tpu.memory_space<vmem_shared>>
    tpu.wait_dma2 semaphore(%arg11 : memref<!tpu.dma_semaphore, #tpu.memory_space<semaphore_mem>>) src(%arg9 : memref<2048xf32, #tpu.memory_space<vmem>>) dst(%dma_wait3A_75 : memref<2048xf32, #tpu.memory_space<vmem_shared>>)
    %dma_wait3A_76 = tpu.memref_slice %arg10[%add3A_53] : memref<262144xf32, #tpu.memory_space<vmem_shared>> -> memref<2048xf32, #tpu.memory_space<vmem_shared>>
    %dma_wait3A_77 = tpu.memref_slice %arg10[%add3A_53] : memref<262144xf32, #tpu.memory_space<vmem_shared>> -> memref<2048xf32, #tpu.memory_space<vmem_shared>>
    tpu.wait_dma2 semaphore(%arg11 : memref<!tpu.dma_semaphore, #tpu.memory_space<semaphore_mem>>) src(%arg9 : memref<2048xf32, #tpu.memory_space<vmem>>) dst(%dma_wait3A_77 : memref<2048xf32, #tpu.memory_space<vmem_shared>>)
    %barrier3A = arith.constant 0 : index
    tpu.barrier barrier_id(%barrier3A)
    %dma_start3A_78 = arith.constant 0 : i32
    %dma_start3A_79 = arith.constant 0 : i32
    %dma_start3A_80 = arith.constant 0 : i32
    %dma_start3A_81 = tpu.memref_slice %arg8[%dma_start3A_78, %dma_start3A_80] : memref<8x128xf32, #tpu.memory_space<vmem>> -> memref<1x128xf32, #tpu.memory_space<vmem>>
    %dma_start3A_82 = tpu.memref_squeeze %dma_start3A_81 : memref<1x128xf32, #tpu.memory_space<vmem>> -> memref<128xf32, #tpu.memory_space<vmem>>
    %dma_start3A_83 = arith.constant 0 : i32
    %dma_start3A_84 = tpu.memref_slice %arg7[%dma_start3A_79, %dma_start3A_83] : memref<8x128xi32, #tpu.memory_space<vmem>> -> memref<1x128xi32, #tpu.memory_space<vmem>>
    %dma_start3A_85 = tpu.memref_squeeze %dma_start3A_84 : memref<1x128xi32, #tpu.memory_space<vmem>> -> memref<128xi32, #tpu.memory_space<vmem>>
    %dma_start3A_86 = arith.constant 0 : i32
    %dma_start3A_87 = tpu.memref_slice %arg10[%dma_start3A_86] : memref<262144xf32, #tpu.memory_space<vmem_shared>> -> memref<262144xf32, #tpu.memory_space<vmem_shared>>
    tpu.enqueue_indirect_dma source(%dma_start3A_82 : memref<128xf32, #tpu.memory_space<vmem>>) target(%dma_start3A_87 : memref<262144xf32, #tpu.memory_space<vmem_shared>>) offsets(%dma_start3A_85 : memref<128xi32, #tpu.memory_space<vmem>>) semaphore(%arg11 : memref<!tpu.dma_semaphore, #tpu.memory_space<semaphore_mem>>) {add = true}
    %dma_start3A_88 = arith.constant 1 : i32
    %dma_start3A_89 = arith.constant 1 : i32
    %dma_start3A_90 = arith.constant 0 : i32
    %dma_start3A_91 = tpu.memref_slice %arg8[%dma_start3A_88, %dma_start3A_90] : memref<8x128xf32, #tpu.memory_space<vmem>> -> memref<1x128xf32, #tpu.memory_space<vmem>>
    %dma_start3A_92 = tpu.memref_squeeze %dma_start3A_91 : memref<1x128xf32, #tpu.memory_space<vmem>> -> memref<128xf32, #tpu.memory_space<vmem>>
    %dma_start3A_93 = arith.constant 0 : i32
    %dma_start3A_94 = tpu.memref_slice %arg7[%dma_start3A_89, %dma_start3A_93] : memref<8x128xi32, #tpu.memory_space<vmem>> -> memref<1x128xi32, #tpu.memory_space<vmem>>
    %dma_start3A_95 = tpu.memref_squeeze %dma_start3A_94 : memref<1x128xi32, #tpu.memory_space<vmem>> -> memref<128xi32, #tpu.memory_space<vmem>>
    %dma_start3A_96 = arith.constant 0 : i32
    %dma_start3A_97 = tpu.memref_slice %arg10[%dma_start3A_96] : memref<262144xf32, #tpu.memory_space<vmem_shared>> -> memref<262144xf32, #tpu.memory_space<vmem_shared>>
    tpu.enqueue_indirect_dma source(%dma_start3A_92 : memref<128xf32, #tpu.memory_space<vmem>>) target(%dma_start3A_97 : memref<262144xf32, #tpu.memory_space<vmem_shared>>) offsets(%dma_start3A_95 : memref<128xi32, #tpu.memory_space<vmem>>) semaphore(%arg11 : memref<!tpu.dma_semaphore, #tpu.memory_space<semaphore_mem>>) {add = true}
    %dma_start3A_98 = arith.constant 2 : i32
    %dma_start3A_99 = arith.constant 2 : i32
    %dma_start3A_100 = arith.constant 0 : i32
    %dma_start3A_101 = tpu.memref_slice %arg8[%dma_start3A_98, %dma_start3A_100] : memref<8x128xf32, #tpu.memory_space<vmem>> -> memref<1x128xf32, #tpu.memory_space<vmem>>
    %dma_start3A_102 = tpu.memref_squeeze %dma_start3A_101 : memref<1x128xf32, #tpu.memory_space<vmem>> -> memref<128xf32, #tpu.memory_space<vmem>>
    %dma_start3A_103 = arith.constant 0 : i32
    %dma_start3A_104 = tpu.memref_slice %arg7[%dma_start3A_99, %dma_start3A_103] : memref<8x128xi32, #tpu.memory_space<vmem>> -> memref<1x128xi32, #tpu.memory_space<vmem>>
    %dma_start3A_105 = tpu.memref_squeeze %dma_start3A_104 : memref<1x128xi32, #tpu.memory_space<vmem>> -> memref<128xi32, #tpu.memory_space<vmem>>
    %dma_start3A_106 = arith.constant 0 : i32
    %dma_start3A_107 = tpu.memref_slice %arg10[%dma_start3A_106] : memref<262144xf32, #tpu.memory_space<vmem_shared>> -> memref<262144xf32, #tpu.memory_space<vmem_shared>>
    tpu.enqueue_indirect_dma source(%dma_start3A_102 : memref<128xf32, #tpu.memory_space<vmem>>) target(%dma_start3A_107 : memref<262144xf32, #tpu.memory_space<vmem_shared>>) offsets(%dma_start3A_105 : memref<128xi32, #tpu.memory_space<vmem>>) semaphore(%arg11 : memref<!tpu.dma_semaphore, #tpu.memory_space<semaphore_mem>>) {add = true}
    %dma_start3A_108 = arith.constant 3 : i32
    %dma_start3A_109 = arith.constant 3 : i32
    %dma_start3A_110 = arith.constant 0 : i32
    %dma_start3A_111 = tpu.memref_slice %arg8[%dma_start3A_108, %dma_start3A_110] : memref<8x128xf32, #tpu.memory_space<vmem>> -> memref<1x128xf32, #tpu.memory_space<vmem>>
    %dma_start3A_112 = tpu.memref_squeeze %dma_start3A_111 : memref<1x128xf32, #tpu.memory_space<vmem>> -> memref<128xf32, #tpu.memory_space<vmem>>
    %dma_start3A_113 = arith.constant 0 : i32
    %dma_start3A_114 = tpu.memref_slice %arg7[%dma_start3A_109, %dma_start3A_113] : memref<8x128xi32, #tpu.memory_space<vmem>> -> memref<1x128xi32, #tpu.memory_space<vmem>>
    %dma_start3A_115 = tpu.memref_squeeze %dma_start3A_114 : memref<1x128xi32, #tpu.memory_space<vmem>> -> memref<128xi32, #tpu.memory_space<vmem>>
    %dma_start3A_116 = arith.constant 0 : i32
    %dma_start3A_117 = tpu.memref_slice %arg10[%dma_start3A_116] : memref<262144xf32, #tpu.memory_space<vmem_shared>> -> memref<262144xf32, #tpu.memory_space<vmem_shared>>
    tpu.enqueue_indirect_dma source(%dma_start3A_112 : memref<128xf32, #tpu.memory_space<vmem>>) target(%dma_start3A_117 : memref<262144xf32, #tpu.memory_space<vmem_shared>>) offsets(%dma_start3A_115 : memref<128xi32, #tpu.memory_space<vmem>>) semaphore(%arg11 : memref<!tpu.dma_semaphore, #tpu.memory_space<semaphore_mem>>) {add = true}
    %dma_start3A_118 = arith.constant 4 : i32
    %dma_start3A_119 = arith.constant 4 : i32
    %dma_start3A_120 = arith.constant 0 : i32
    %dma_start3A_121 = tpu.memref_slice %arg8[%dma_start3A_118, %dma_start3A_120] : memref<8x128xf32, #tpu.memory_space<vmem>> -> memref<1x128xf32, #tpu.memory_space<vmem>>
    %dma_start3A_122 = tpu.memref_squeeze %dma_start3A_121 : memref<1x128xf32, #tpu.memory_space<vmem>> -> memref<128xf32, #tpu.memory_space<vmem>>
    %dma_start3A_123 = arith.constant 0 : i32
    %dma_start3A_124 = tpu.memref_slice %arg7[%dma_start3A_119, %dma_start3A_123] : memref<8x128xi32, #tpu.memory_space<vmem>> -> memref<1x128xi32, #tpu.memory_space<vmem>>
    %dma_start3A_125 = tpu.memref_squeeze %dma_start3A_124 : memref<1x128xi32, #tpu.memory_space<vmem>> -> memref<128xi32, #tpu.memory_space<vmem>>
    %dma_start3A_126 = arith.constant 0 : i32
    %dma_start3A_127 = tpu.memref_slice %arg10[%dma_start3A_126] : memref<262144xf32, #tpu.memory_space<vmem_shared>> -> memref<262144xf32, #tpu.memory_space<vmem_shared>>
    tpu.enqueue_indirect_dma source(%dma_start3A_122 : memref<128xf32, #tpu.memory_space<vmem>>) target(%dma_start3A_127 : memref<262144xf32, #tpu.memory_space<vmem_shared>>) offsets(%dma_start3A_125 : memref<128xi32, #tpu.memory_space<vmem>>) semaphore(%arg11 : memref<!tpu.dma_semaphore, #tpu.memory_space<semaphore_mem>>) {add = true}
    %dma_start3A_128 = arith.constant 5 : i32
    %dma_start3A_129 = arith.constant 5 : i32
    %dma_start3A_130 = arith.constant 0 : i32
    %dma_start3A_131 = tpu.memref_slice %arg8[%dma_start3A_128, %dma_start3A_130] : memref<8x128xf32, #tpu.memory_space<vmem>> -> memref<1x128xf32, #tpu.memory_space<vmem>>
    %dma_start3A_132 = tpu.memref_squeeze %dma_start3A_131 : memref<1x128xf32, #tpu.memory_space<vmem>> -> memref<128xf32, #tpu.memory_space<vmem>>
    %dma_start3A_133 = arith.constant 0 : i32
    %dma_start3A_134 = tpu.memref_slice %arg7[%dma_start3A_129, %dma_start3A_133] : memref<8x128xi32, #tpu.memory_space<vmem>> -> memref<1x128xi32, #tpu.memory_space<vmem>>
    %dma_start3A_135 = tpu.memref_squeeze %dma_start3A_134 : memref<1x128xi32, #tpu.memory_space<vmem>> -> memref<128xi32, #tpu.memory_space<vmem>>
    %dma_start3A_136 = arith.constant 0 : i32
    %dma_start3A_137 = tpu.memref_slice %arg10[%dma_start3A_136] : memref<262144xf32, #tpu.memory_space<vmem_shared>> -> memref<262144xf32, #tpu.memory_space<vmem_shared>>
    tpu.enqueue_indirect_dma source(%dma_start3A_132 : memref<128xf32, #tpu.memory_space<vmem>>) target(%dma_start3A_137 : memref<262144xf32, #tpu.memory_space<vmem_shared>>) offsets(%dma_start3A_135 : memref<128xi32, #tpu.memory_space<vmem>>) semaphore(%arg11 : memref<!tpu.dma_semaphore, #tpu.memory_space<semaphore_mem>>) {add = true}
    %dma_start3A_138 = arith.constant 6 : i32
    %dma_start3A_139 = arith.constant 6 : i32
    %dma_start3A_140 = arith.constant 0 : i32
    %dma_start3A_141 = tpu.memref_slice %arg8[%dma_start3A_138, %dma_start3A_140] : memref<8x128xf32, #tpu.memory_space<vmem>> -> memref<1x128xf32, #tpu.memory_space<vmem>>
    %dma_start3A_142 = tpu.memref_squeeze %dma_start3A_141 : memref<1x128xf32, #tpu.memory_space<vmem>> -> memref<128xf32, #tpu.memory_space<vmem>>
    %dma_start3A_143 = arith.constant 0 : i32
    %dma_start3A_144 = tpu.memref_slice %arg7[%dma_start3A_139, %dma_start3A_143] : memref<8x128xi32, #tpu.memory_space<vmem>> -> memref<1x128xi32, #tpu.memory_space<vmem>>
    %dma_start3A_145 = tpu.memref_squeeze %dma_start3A_144 : memref<1x128xi32, #tpu.memory_space<vmem>> -> memref<128xi32, #tpu.memory_space<vmem>>
    %dma_start3A_146 = arith.constant 0 : i32
    %dma_start3A_147 = tpu.memref_slice %arg10[%dma_start3A_146] : memref<262144xf32, #tpu.memory_space<vmem_shared>> -> memref<262144xf32, #tpu.memory_space<vmem_shared>>
    tpu.enqueue_indirect_dma source(%dma_start3A_142 : memref<128xf32, #tpu.memory_space<vmem>>) target(%dma_start3A_147 : memref<262144xf32, #tpu.memory_space<vmem_shared>>) offsets(%dma_start3A_145 : memref<128xi32, #tpu.memory_space<vmem>>) semaphore(%arg11 : memref<!tpu.dma_semaphore, #tpu.memory_space<semaphore_mem>>) {add = true}
    %dma_start3A_148 = arith.constant 7 : i32
    %dma_start3A_149 = arith.constant 7 : i32
    %dma_start3A_150 = arith.constant 0 : i32
    %dma_start3A_151 = tpu.memref_slice %arg8[%dma_start3A_148, %dma_start3A_150] : memref<8x128xf32, #tpu.memory_space<vmem>> -> memref<1x128xf32, #tpu.memory_space<vmem>>
    %dma_start3A_152 = tpu.memref_squeeze %dma_start3A_151 : memref<1x128xf32, #tpu.memory_space<vmem>> -> memref<128xf32, #tpu.memory_space<vmem>>
    %dma_start3A_153 = arith.constant 0 : i32
    %dma_start3A_154 = tpu.memref_slice %arg7[%dma_start3A_149, %dma_start3A_153] : memref<8x128xi32, #tpu.memory_space<vmem>> -> memref<1x128xi32, #tpu.memory_space<vmem>>
    %dma_start3A_155 = tpu.memref_squeeze %dma_start3A_154 : memref<1x128xi32, #tpu.memory_space<vmem>> -> memref<128xi32, #tpu.memory_space<vmem>>
    %dma_start3A_156 = arith.constant 0 : i32
    %dma_start3A_157 = tpu.memref_slice %arg10[%dma_start3A_156] : memref<262144xf32, #tpu.memory_space<vmem_shared>> -> memref<262144xf32, #tpu.memory_space<vmem_shared>>
    tpu.enqueue_indirect_dma source(%dma_start3A_152 : memref<128xf32, #tpu.memory_space<vmem>>) target(%dma_start3A_157 : memref<262144xf32, #tpu.memory_space<vmem_shared>>) offsets(%dma_start3A_155 : memref<128xi32, #tpu.memory_space<vmem>>) semaphore(%arg11 : memref<!tpu.dma_semaphore, #tpu.memory_space<semaphore_mem>>) {add = true}
    %dma_wait3A_158 = arith.constant 0 : i32
    %dma_wait3A_159 = arith.constant 0 : i32
    %dma_wait3A_160 = arith.constant 0 : i32
    %dma_wait3A_161 = tpu.memref_slice %arg8[%dma_wait3A_158, %dma_wait3A_160] : memref<8x128xf32, #tpu.memory_space<vmem>> -> memref<1x128xf32, #tpu.memory_space<vmem>>
    %dma_wait3A_162 = tpu.memref_squeeze %dma_wait3A_161 : memref<1x128xf32, #tpu.memory_space<vmem>> -> memref<128xf32, #tpu.memory_space<vmem>>
    %dma_wait3A_163 = arith.constant 0 : i32
    %dma_wait3A_164 = tpu.memref_slice %arg7[%dma_wait3A_159, %dma_wait3A_163] : memref<8x128xi32, #tpu.memory_space<vmem>> -> memref<1x128xi32, #tpu.memory_space<vmem>>
    %dma_wait3A_165 = tpu.memref_squeeze %dma_wait3A_164 : memref<1x128xi32, #tpu.memory_space<vmem>> -> memref<128xi32, #tpu.memory_space<vmem>>
    %dma_wait3A_166 = arith.constant 0 : i32
    %dma_wait3A_167 = tpu.memref_slice %arg10[%dma_wait3A_166] : memref<262144xf32, #tpu.memory_space<vmem_shared>> -> memref<262144xf32, #tpu.memory_space<vmem_shared>>
    tpu.wait_indirect_dma semaphore(%arg11 : memref<!tpu.dma_semaphore, #tpu.memory_space<semaphore_mem>>) src(%dma_wait3A_162 : memref<128xf32, #tpu.memory_space<vmem>>) dst(%dma_wait3A_167 : memref<262144xf32, #tpu.memory_space<vmem_shared>>)
    %dma_wait3A_168 = arith.constant 1 : i32
    %dma_wait3A_169 = arith.constant 1 : i32
    %dma_wait3A_170 = arith.constant 0 : i32
    %dma_wait3A_171 = tpu.memref_slice %arg8[%dma_wait3A_168, %dma_wait3A_170] : memref<8x128xf32, #tpu.memory_space<vmem>> -> memref<1x128xf32, #tpu.memory_space<vmem>>
    %dma_wait3A_172 = tpu.memref_squeeze %dma_wait3A_171 : memref<1x128xf32, #tpu.memory_space<vmem>> -> memref<128xf32, #tpu.memory_space<vmem>>
    %dma_wait3A_173 = arith.constant 0 : i32
    %dma_wait3A_174 = tpu.memref_slice %arg7[%dma_wait3A_169, %dma_wait3A_173] : memref<8x128xi32, #tpu.memory_space<vmem>> -> memref<1x128xi32, #tpu.memory_space<vmem>>
    %dma_wait3A_175 = tpu.memref_squeeze %dma_wait3A_174 : memref<1x128xi32, #tpu.memory_space<vmem>> -> memref<128xi32, #tpu.memory_space<vmem>>
    %dma_wait3A_176 = arith.constant 0 : i32
    %dma_wait3A_177 = tpu.memref_slice %arg10[%dma_wait3A_176] : memref<262144xf32, #tpu.memory_space<vmem_shared>> -> memref<262144xf32, #tpu.memory_space<vmem_shared>>
    tpu.wait_indirect_dma semaphore(%arg11 : memref<!tpu.dma_semaphore, #tpu.memory_space<semaphore_mem>>) src(%dma_wait3A_172 : memref<128xf32, #tpu.memory_space<vmem>>) dst(%dma_wait3A_177 : memref<262144xf32, #tpu.memory_space<vmem_shared>>)
    %dma_wait3A_178 = arith.constant 2 : i32
    %dma_wait3A_179 = arith.constant 2 : i32
    %dma_wait3A_180 = arith.constant 0 : i32
    %dma_wait3A_181 = tpu.memref_slice %arg8[%dma_wait3A_178, %dma_wait3A_180] : memref<8x128xf32, #tpu.memory_space<vmem>> -> memref<1x128xf32, #tpu.memory_space<vmem>>
    %dma_wait3A_182 = tpu.memref_squeeze %dma_wait3A_181 : memref<1x128xf32, #tpu.memory_space<vmem>> -> memref<128xf32, #tpu.memory_space<vmem>>
    %dma_wait3A_183 = arith.constant 0 : i32
    %dma_wait3A_184 = tpu.memref_slice %arg7[%dma_wait3A_179, %dma_wait3A_183] : memref<8x128xi32, #tpu.memory_space<vmem>> -> memref<1x128xi32, #tpu.memory_space<vmem>>
    %dma_wait3A_185 = tpu.memref_squeeze %dma_wait3A_184 : memref<1x128xi32, #tpu.memory_space<vmem>> -> memref<128xi32, #tpu.memory_space<vmem>>
    %dma_wait3A_186 = arith.constant 0 : i32
    %dma_wait3A_187 = tpu.memref_slice %arg10[%dma_wait3A_186] : memref<262144xf32, #tpu.memory_space<vmem_shared>> -> memref<262144xf32, #tpu.memory_space<vmem_shared>>
    tpu.wait_indirect_dma semaphore(%arg11 : memref<!tpu.dma_semaphore, #tpu.memory_space<semaphore_mem>>) src(%dma_wait3A_182 : memref<128xf32, #tpu.memory_space<vmem>>) dst(%dma_wait3A_187 : memref<262144xf32, #tpu.memory_space<vmem_shared>>)
    %dma_wait3A_188 = arith.constant 3 : i32
    %dma_wait3A_189 = arith.constant 3 : i32
    %dma_wait3A_190 = arith.constant 0 : i32
    %dma_wait3A_191 = tpu.memref_slice %arg8[%dma_wait3A_188, %dma_wait3A_190] : memref<8x128xf32, #tpu.memory_space<vmem>> -> memref<1x128xf32, #tpu.memory_space<vmem>>
    %dma_wait3A_192 = tpu.memref_squeeze %dma_wait3A_191 : memref<1x128xf32, #tpu.memory_space<vmem>> -> memref<128xf32, #tpu.memory_space<vmem>>
    %dma_wait3A_193 = arith.constant 0 : i32
    %dma_wait3A_194 = tpu.memref_slice %arg7[%dma_wait3A_189, %dma_wait3A_193] : memref<8x128xi32, #tpu.memory_space<vmem>> -> memref<1x128xi32, #tpu.memory_space<vmem>>
    %dma_wait3A_195 = tpu.memref_squeeze %dma_wait3A_194 : memref<1x128xi32, #tpu.memory_space<vmem>> -> memref<128xi32, #tpu.memory_space<vmem>>
    %dma_wait3A_196 = arith.constant 0 : i32
    %dma_wait3A_197 = tpu.memref_slice %arg10[%dma_wait3A_196] : memref<262144xf32, #tpu.memory_space<vmem_shared>> -> memref<262144xf32, #tpu.memory_space<vmem_shared>>
    tpu.wait_indirect_dma semaphore(%arg11 : memref<!tpu.dma_semaphore, #tpu.memory_space<semaphore_mem>>) src(%dma_wait3A_192 : memref<128xf32, #tpu.memory_space<vmem>>) dst(%dma_wait3A_197 : memref<262144xf32, #tpu.memory_space<vmem_shared>>)
    %dma_wait3A_198 = arith.constant 4 : i32
    %dma_wait3A_199 = arith.constant 4 : i32
    %dma_wait3A_200 = arith.constant 0 : i32
    %dma_wait3A_201 = tpu.memref_slice %arg8[%dma_wait3A_198, %dma_wait3A_200] : memref<8x128xf32, #tpu.memory_space<vmem>> -> memref<1x128xf32, #tpu.memory_space<vmem>>
    %dma_wait3A_202 = tpu.memref_squeeze %dma_wait3A_201 : memref<1x128xf32, #tpu.memory_space<vmem>> -> memref<128xf32, #tpu.memory_space<vmem>>
    %dma_wait3A_203 = arith.constant 0 : i32
    %dma_wait3A_204 = tpu.memref_slice %arg7[%dma_wait3A_199, %dma_wait3A_203] : memref<8x128xi32, #tpu.memory_space<vmem>> -> memref<1x128xi32, #tpu.memory_space<vmem>>
    %dma_wait3A_205 = tpu.memref_squeeze %dma_wait3A_204 : memref<1x128xi32, #tpu.memory_space<vmem>> -> memref<128xi32, #tpu.memory_space<vmem>>
    %dma_wait3A_206 = arith.constant 0 : i32
    %dma_wait3A_207 = tpu.memref_slice %arg10[%dma_wait3A_206] : memref<262144xf32, #tpu.memory_space<vmem_shared>> -> memref<262144xf32, #tpu.memory_space<vmem_shared>>
    tpu.wait_indirect_dma semaphore(%arg11 : memref<!tpu.dma_semaphore, #tpu.memory_space<semaphore_mem>>) src(%dma_wait3A_202 : memref<128xf32, #tpu.memory_space<vmem>>) dst(%dma_wait3A_207 : memref<262144xf32, #tpu.memory_space<vmem_shared>>)
    %dma_wait3A_208 = arith.constant 5 : i32
    %dma_wait3A_209 = arith.constant 5 : i32
    %dma_wait3A_210 = arith.constant 0 : i32
    %dma_wait3A_211 = tpu.memref_slice %arg8[%dma_wait3A_208, %dma_wait3A_210] : memref<8x128xf32, #tpu.memory_space<vmem>> -> memref<1x128xf32, #tpu.memory_space<vmem>>
    %dma_wait3A_212 = tpu.memref_squeeze %dma_wait3A_211 : memref<1x128xf32, #tpu.memory_space<vmem>> -> memref<128xf32, #tpu.memory_space<vmem>>
    %dma_wait3A_213 = arith.constant 0 : i32
    %dma_wait3A_214 = tpu.memref_slice %arg7[%dma_wait3A_209, %dma_wait3A_213] : memref<8x128xi32, #tpu.memory_space<vmem>> -> memref<1x128xi32, #tpu.memory_space<vmem>>
    %dma_wait3A_215 = tpu.memref_squeeze %dma_wait3A_214 : memref<1x128xi32, #tpu.memory_space<vmem>> -> memref<128xi32, #tpu.memory_space<vmem>>
    %dma_wait3A_216 = arith.constant 0 : i32
    %dma_wait3A_217 = tpu.memref_slice %arg10[%dma_wait3A_216] : memref<262144xf32, #tpu.memory_space<vmem_shared>> -> memref<262144xf32, #tpu.memory_space<vmem_shared>>
    tpu.wait_indirect_dma semaphore(%arg11 : memref<!tpu.dma_semaphore, #tpu.memory_space<semaphore_mem>>) src(%dma_wait3A_212 : memref<128xf32, #tpu.memory_space<vmem>>) dst(%dma_wait3A_217 : memref<262144xf32, #tpu.memory_space<vmem_shared>>)
    %dma_wait3A_218 = arith.constant 6 : i32
    %dma_wait3A_219 = arith.constant 6 : i32
    %dma_wait3A_220 = arith.constant 0 : i32
    %dma_wait3A_221 = tpu.memref_slice %arg8[%dma_wait3A_218, %dma_wait3A_220] : memref<8x128xf32, #tpu.memory_space<vmem>> -> memref<1x128xf32, #tpu.memory_space<vmem>>
    %dma_wait3A_222 = tpu.memref_squeeze %dma_wait3A_221 : memref<1x128xf32, #tpu.memory_space<vmem>> -> memref<128xf32, #tpu.memory_space<vmem>>
    %dma_wait3A_223 = arith.constant 0 : i32
    %dma_wait3A_224 = tpu.memref_slice %arg7[%dma_wait3A_219, %dma_wait3A_223] : memref<8x128xi32, #tpu.memory_space<vmem>> -> memref<1x128xi32, #tpu.memory_space<vmem>>
    %dma_wait3A_225 = tpu.memref_squeeze %dma_wait3A_224 : memref<1x128xi32, #tpu.memory_space<vmem>> -> memref<128xi32, #tpu.memory_space<vmem>>
    %dma_wait3A_226 = arith.constant 0 : i32
    %dma_wait3A_227 = tpu.memref_slice %arg10[%dma_wait3A_226] : memref<262144xf32, #tpu.memory_space<vmem_shared>> -> memref<262144xf32, #tpu.memory_space<vmem_shared>>
    tpu.wait_indirect_dma semaphore(%arg11 : memref<!tpu.dma_semaphore, #tpu.memory_space<semaphore_mem>>) src(%dma_wait3A_222 : memref<128xf32, #tpu.memory_space<vmem>>) dst(%dma_wait3A_227 : memref<262144xf32, #tpu.memory_space<vmem_shared>>)
    %dma_wait3A_228 = arith.constant 7 : i32
    %dma_wait3A_229 = arith.constant 7 : i32
    %dma_wait3A_230 = arith.constant 0 : i32
    %dma_wait3A_231 = tpu.memref_slice %arg8[%dma_wait3A_228, %dma_wait3A_230] : memref<8x128xf32, #tpu.memory_space<vmem>> -> memref<1x128xf32, #tpu.memory_space<vmem>>
    %dma_wait3A_232 = tpu.memref_squeeze %dma_wait3A_231 : memref<1x128xf32, #tpu.memory_space<vmem>> -> memref<128xf32, #tpu.memory_space<vmem>>
    %dma_wait3A_233 = arith.constant 0 : i32
    %dma_wait3A_234 = tpu.memref_slice %arg7[%dma_wait3A_229, %dma_wait3A_233] : memref<8x128xi32, #tpu.memory_space<vmem>> -> memref<1x128xi32, #tpu.memory_space<vmem>>
    %dma_wait3A_235 = tpu.memref_squeeze %dma_wait3A_234 : memref<1x128xi32, #tpu.memory_space<vmem>> -> memref<128xi32, #tpu.memory_space<vmem>>
    %dma_wait3A_236 = arith.constant 0 : i32
    %dma_wait3A_237 = tpu.memref_slice %arg10[%dma_wait3A_236] : memref<262144xf32, #tpu.memory_space<vmem_shared>> -> memref<262144xf32, #tpu.memory_space<vmem_shared>>
    tpu.wait_indirect_dma semaphore(%arg11 : memref<!tpu.dma_semaphore, #tpu.memory_space<semaphore_mem>>) src(%dma_wait3A_232 : memref<128xf32, #tpu.memory_space<vmem>>) dst(%dma_wait3A_237 : memref<262144xf32, #tpu.memory_space<vmem_shared>>)
    %barrier3A_238 = arith.constant 0 : index
    tpu.barrier barrier_id(%barrier3A_238)
    %mul3A_239 = arith.constant 16384 : i32
    %mul3A_240 = arith.muli %arg1, %mul3A_239 : i32
    "tpu.region"() ({
      %run_scoped3A = tpu.sem_alloc : memref<!tpu.dma_semaphore, #tpu.memory_space<semaphore_mem>>
      %dma_start3A_241 = arith.constant 0 : i32
      %dma_start3A_242 = tpu.memref_slice %arg4[%arg0, %arg1, %dma_start3A_241] : memref<2x16x16384xf32, #tpu.memory_space<hbm>> -> memref<1x1x16384xf32, #tpu.memory_space<hbm>>
      %dma_start3A_243 = tpu.memref_squeeze %dma_start3A_242 : memref<1x1x16384xf32, #tpu.memory_space<hbm>> -> memref<16384xf32, #tpu.memory_space<hbm>>
      %dma_start3A_244 = tpu.memref_slice %arg10[%mul3A_240] : memref<262144xf32, #tpu.memory_space<vmem_shared>> -> memref<16384xf32, #tpu.memory_space<vmem_shared>>
      tpu.enqueue_dma source(%dma_start3A_244 : memref<16384xf32, #tpu.memory_space<vmem_shared>>) target(%dma_start3A_243 : memref<16384xf32, #tpu.memory_space<hbm>>) target_semaphore(%run_scoped3A : memref<!tpu.dma_semaphore, #tpu.memory_space<semaphore_mem>>)
      %dma_wait3A_245 = arith.constant 0 : i32
      %dma_wait3A_246 = tpu.memref_slice %arg4[%arg0, %arg1, %dma_wait3A_245] : memref<2x16x16384xf32, #tpu.memory_space<hbm>> -> memref<1x1x16384xf32, #tpu.memory_space<hbm>>
      %dma_wait3A_247 = tpu.memref_squeeze %dma_wait3A_246 : memref<1x1x16384xf32, #tpu.memory_space<hbm>> -> memref<16384xf32, #tpu.memory_space<hbm>>
      %dma_wait3A_248 = tpu.memref_slice %arg10[%mul3A_240] : memref<262144xf32, #tpu.memory_space<vmem_shared>> -> memref<16384xf32, #tpu.memory_space<vmem_shared>>
      tpu.wait_dma2 semaphore(%run_scoped3A : memref<!tpu.dma_semaphore, #tpu.memory_space<semaphore_mem>>) src(%dma_wait3A_248 : memref<16384xf32, #tpu.memory_space<vmem_shared>>) dst(%dma_wait3A_247 : memref<16384xf32, #tpu.memory_space<hbm>>)
      tpu.yield
    }) : () -> ()
    return
  }
}

module attributes {stable_mosaic.version = 14 : i64} {
  func.func @_encode_body(%arg0: i32, %arg1: memref<128x512xf32, #tpu.memory_space<vmem>>, %arg2: memref<128x512xf32, #tpu.memory_space<vmem>>, %arg3: memref<1x512xf32, #tpu.memory_space<vmem>>, %arg4: memref<2x8x16384xf32, #tpu.memory_space<vmem>>, %arg5: memref<1024x512xf32, #tpu.memory_space<vmem>>) attributes {dimension_semantics = [#tpu.dimension_semantics<arbitrary>], iteration_bounds = array<i64: 2>, scalar_prefetch = 0 : i64, scratch_operands = 0 : i64, tpu.core_type = #tpu.core_type<tc>, window_params = [{pipeline_mode = #tpu.pipeline_mode<synchronous>, transform_indices = @transform_0, window_bounds = array<i64: 128, 512>}, {pipeline_mode = #tpu.pipeline_mode<synchronous>, transform_indices = @transform_1, window_bounds = array<i64: 128, 512>}, {pipeline_mode = #tpu.pipeline_mode<synchronous>, transform_indices = @transform_2, window_bounds = array<i64: 1, 512>}, {transform_indices = @transform_3, window_bounds = array<i64: 2, 8, 16384>}, {transform_indices = @transform_4, window_bounds = array<i64: 1024, 512>}]} {
    %get3A = arith.constant 0 : index
    %get3A_0 = arith.constant 0 : index
    %get3A_1 = arith.constant 0 : index
    %get3A_2 = vector.load %arg4[%get3A, %get3A_0, %get3A_1] : memref<2x8x16384xf32, #tpu.memory_space<vmem>>, vector<1x8x16384xf32>
    %get3A_3 = vector.shape_cast %get3A_2 : vector<1x8x16384xf32> to vector<8x16384xf32>
    %get3A_4 = arith.constant 1 : index
    %get3A_5 = arith.constant 0 : index
    %get3A_6 = arith.constant 0 : index
    %get3A_7 = vector.load %arg4[%get3A_4, %get3A_5, %get3A_6] : memref<2x8x16384xf32, #tpu.memory_space<vmem>>, vector<1x8x16384xf32>
    %get3A_8 = vector.shape_cast %get3A_7 : vector<1x8x16384xf32> to vector<8x16384xf32>
    %add3A = arith.addf %get3A_3, %get3A_8 : vector<8x16384xf32>
    %reshape3A = vector.shape_cast %add3A : vector<8x16384xf32> to vector<1024x128xf32>
    %convert_element_type3A = arith.fptosi %reshape3A : vector<1024x128xf32> to vector<1024x128xi32>
    %and3A = arith.constant 65535 : i32
    %and3A_9 = vector.broadcast %and3A : i32 to vector<1024x128xi32>
    %and3A_10 = arith.andi %convert_element_type3A, %and3A_9 : vector<1024x128xi32>
    %convert_element_type3A_11 = arith.sitofp %and3A_10 : vector<1024x128xi32> to vector<1024x128xf32>
    %shift_right_logical3A = arith.constant 16 : i32
    %shift_right_logical3A_12 = vector.broadcast %shift_right_logical3A : i32 to vector<1024x128xi32>
    %shift_right_logical3A_13 = arith.shrui %convert_element_type3A, %shift_right_logical3A_12 : vector<1024x128xi32>
    %convert_element_type3A_14 = arith.sitofp %shift_right_logical3A_13 : vector<1024x128xi32> to vector<1024x128xf32>
    %reduce_sum3A = arith.constant dense<0.000000e+00> : vector<1024xf32>
    %reduce_sum3A_15 = vector.multi_reduction <add>, %convert_element_type3A_11, %reduce_sum3A [1] : vector<1024x128xf32> to vector<1024xf32>
    %broadcast_in_dim3A = vector.shape_cast %reduce_sum3A_15 : vector<1024xf32> to vector<1024x1xf32>
    %reduce_sum3A_16 = arith.constant dense<0.000000e+00> : vector<1024xf32>
    %reduce_sum3A_17 = vector.multi_reduction <add>, %convert_element_type3A_14, %reduce_sum3A_16 [1] : vector<1024x128xf32> to vector<1024xf32>
    %broadcast_in_dim3A_18 = vector.shape_cast %reduce_sum3A_17 : vector<1024xf32> to vector<1024x1xf32>
    %add3A_19 = arith.addf %broadcast_in_dim3A, %broadcast_in_dim3A_18 : vector<1024x1xf32>
    %get3A_20 = arith.constant 0 : index
    %get3A_21 = arith.constant 0 : index
    %get3A_22 = vector.load %arg1[%get3A_20, %get3A_21] : memref<128x512xf32, #tpu.memory_space<vmem>>, vector<128x512xf32>
    %dot_general3A = arith.constant dense<0.000000e+00> : vector<1024x512xf32>
    %dot_general3A_23 = tpu.matmul %convert_element_type3A_11, %get3A_22, %dot_general3A {dimension_numbers = #tpu.dot_dimension_numbers<[1], [0], [0], [1], [0, 0, 1, 1], [], []>, transpose_lhs_hint = false} : vector<1024x128xf32>, vector<128x512xf32>, vector<1024x512xf32> -> vector<1024x512xf32>
    %get3A_24 = arith.constant 0 : index
    %get3A_25 = arith.constant 0 : index
    %get3A_26 = vector.load %arg2[%get3A_24, %get3A_25] : memref<128x512xf32, #tpu.memory_space<vmem>>, vector<128x512xf32>
    %dot_general3A_27 = arith.constant dense<0.000000e+00> : vector<1024x512xf32>
    %dot_general3A_28 = tpu.matmul %convert_element_type3A_14, %get3A_26, %dot_general3A_27 {dimension_numbers = #tpu.dot_dimension_numbers<[1], [0], [0], [1], [0, 0, 1, 1], [], []>, transpose_lhs_hint = false} : vector<1024x128xf32>, vector<128x512xf32>, vector<1024x512xf32> -> vector<1024x512xf32>
    %add3A_29 = arith.addf %dot_general3A_23, %dot_general3A_28 : vector<1024x512xf32>
    %max3A = arith.constant 1.000000e+00 : f32
    %max3A_30 = vector.broadcast %max3A : f32 to vector<1024x1xf32>
    %max3A_31 = arith.maximumf %add3A_19, %max3A_30 : vector<1024x1xf32>
    %div3A = vector.broadcast %max3A_31 : vector<1024x1xf32> to vector<1024x512xf32>
    %div3A_32 = arith.divf %add3A_29, %div3A : vector<1024x512xf32>
    %get3A_33 = arith.constant 0 : index
    %get3A_34 = arith.constant 0 : index
    %get3A_35 = vector.load %arg3[%get3A_33, %get3A_34] : memref<1x512xf32, #tpu.memory_space<vmem>>, vector<1x512xf32>
    %add3A_36 = vector.broadcast %get3A_35 : vector<1x512xf32> to vector<1024x512xf32>
    %add3A_37 = arith.addf %div3A_32, %add3A_36 : vector<1024x512xf32>
    %swap3A = arith.constant 0 : index
    %swap3A_38 = arith.constant 0 : index
    %swap3A_39 = vector.load %arg5[%swap3A, %swap3A_38] : memref<1024x512xf32, #tpu.memory_space<vmem>>, vector<1024x512xf32>
    tpu.vector_store %arg5[%swap3A, %swap3A_38], %add3A_37 {strides = array<i32>} : memref<1024x512xf32, #tpu.memory_space<vmem>>, vector<1024x512xf32>,
    return
  }
  func.func @transform_0(%arg0: i32) -> (i32, i32) {
    %c0_i32 = arith.constant 0 : i32
    %c0_i32_0 = arith.constant 0 : i32
    %c0_i32_1 = arith.constant 0 : i32
    return %c0_i32, %c0_i32_0 : i32, i32
  }
  func.func @transform_1(%arg0: i32) -> (i32, i32) {
    %c0_i32 = arith.constant 0 : i32
    %c0_i32_0 = arith.constant 0 : i32
    %c0_i32_1 = arith.constant 0 : i32
    return %c0_i32, %c0_i32_0 : i32, i32
  }
  func.func @transform_2(%arg0: i32) -> (i32, i32) {
    %c0_i32 = arith.constant 0 : i32
    %c0_i32_0 = arith.constant 0 : i32
    %c0_i32_1 = arith.constant 0 : i32
    return %c0_i32, %c0_i32_0 : i32, i32
  }
  func.func @transform_3(%arg0: i32) -> (i32, i32, i32) {
    %c0_i32 = arith.constant 0 : i32
    %c0_i32_0 = arith.constant 0 : i32
    %c0_i32_1 = arith.constant 0 : i32
    return %c0_i32, %arg0, %c0_i32_0 : i32, i32, i32
  }
  func.func @transform_4(%arg0: i32) -> (i32, i32) {
    %c0_i32 = arith.constant 0 : i32
    %c0_i32_0 = arith.constant 0 : i32
    return %arg0, %c0_i32 : i32, i32
  }
}

module attributes {stable_mosaic.version = 14 : i64} {
  func.func @_ew_body(%arg0: memref<256x1024xf32, #tpu.memory_space<vmem>>, %arg1: memref<1024x512xf32, #tpu.memory_space<vmem>>, %arg2: memref<128x512xf32, #tpu.memory_space<vmem>>, %arg3: memref<128x512xf32, #tpu.memory_space<vmem>>) attributes {dimension_semantics = [], scalar_prefetch = 0 : i64, scratch_operands = 0 : i64, tpu.core_type = #tpu.core_type<tc>} {
    %get3A = arith.constant 0 : index
    %get3A_0 = arith.constant 0 : index
    %get3A_1 = vector.load %arg0[%get3A, %get3A_0] : memref<256x1024xf32, #tpu.memory_space<vmem>>, vector<128x1024xf32>
    %get3A_2 = arith.constant 0 : index
    %get3A_3 = arith.constant 0 : index
    %get3A_4 = vector.load %arg1[%get3A_2, %get3A_3] : memref<1024x512xf32, #tpu.memory_space<vmem>>, vector<1024x512xf32>
    %dot_general3A = arith.constant dense<0.000000e+00> : vector<128x512xf32>
    %dot_general3A_5 = tpu.matmul %get3A_1, %get3A_4, %dot_general3A {dimension_numbers = #tpu.dot_dimension_numbers<[1], [0], [0], [1], [0, 0, 1, 1], [], []>, precision = #tpu.contract_precision<fp32>, transpose_lhs_hint = false} : vector<128x1024xf32>, vector<1024x512xf32>, vector<128x512xf32> -> vector<128x512xf32>
    %swap3A = arith.constant 0 : index
    %swap3A_6 = arith.constant 0 : index
    %swap3A_7 = vector.load %arg2[%swap3A, %swap3A_6] : memref<128x512xf32, #tpu.memory_space<vmem>>, vector<128x512xf32>
    tpu.vector_store %arg2[%swap3A, %swap3A_6], %dot_general3A_5 {strides = array<i32>} : memref<128x512xf32, #tpu.memory_space<vmem>>, vector<128x512xf32>,
    %get3A_8 = arith.constant 128 : index
    %get3A_9 = arith.constant 0 : index
    %get3A_10 = vector.load %arg0[%get3A_8, %get3A_9] : memref<256x1024xf32, #tpu.memory_space<vmem>>, vector<128x1024xf32>
    %get3A_11 = arith.constant 0 : index
    %get3A_12 = arith.constant 0 : index
    %get3A_13 = vector.load %arg1[%get3A_11, %get3A_12] : memref<1024x512xf32, #tpu.memory_space<vmem>>, vector<1024x512xf32>
    %dot_general3A_14 = arith.constant dense<0.000000e+00> : vector<128x512xf32>
    %dot_general3A_15 = tpu.matmul %get3A_10, %get3A_13, %dot_general3A_14 {dimension_numbers = #tpu.dot_dimension_numbers<[1], [0], [0], [1], [0, 0, 1, 1], [], []>, precision = #tpu.contract_precision<fp32>, transpose_lhs_hint = false} : vector<128x1024xf32>, vector<1024x512xf32>, vector<128x512xf32> -> vector<128x512xf32>
    %swap3A_16 = arith.constant 0 : index
    %swap3A_17 = arith.constant 0 : index
    %swap3A_18 = vector.load %arg3[%swap3A_16, %swap3A_17] : memref<128x512xf32, #tpu.memory_space<vmem>>, vector<128x512xf32>
    tpu.vector_store %arg3[%swap3A_16, %swap3A_17], %dot_general3A_15 {strides = array<i32>} : memref<128x512xf32, #tpu.memory_space<vmem>>, vector<128x512xf32>,
    return
  }
}

</mosaic_0001>

<sc_bundles>
// kernel: kernel.5.cloned.1.call-start
scs
__scs_entry_jumppad:
0x0: {  	(pc) =	sbr.rel $0x88, $3  }
0x1: {  	(tag) =	ssettag $0x0;
	lr =	simm.s32 $0x1  }
0x2: {  	[smem:$0x3F9C] =	sst lr;
	_ =	strace $0xD0000000  }
0x3: {  	_ = 	snop  }
0x4: {  	_ = 	snop  }
0x5: {  	_ = 	snop  }
0x6: {  	_ = 	snop  }
0x7: {  	_ = 	snop  }
__scs_overlays_trampoline_lowered:
0x8: {  	[smem:$0x3FAB] =	sst s0  }
0x9: {  	[smem:$0x3FAC] =	sst s1  }
0xa: {  	[smem:$0x3FAD] =	sst s2  }
0xb: {  	[smem:$0x3FAE] =	sst s3  }
0xc: {  	[smem:$0x3FAF] =	sst s4  }
0xd: {  	[smem:$0x3FB0] =	sst s5  }
0xe: {  	[smem:$0x3FB1] =	sst s6  }
0xf: {  	[smem:$0x3FB2] =	sst s7  }
0x10: {  	[smem:$0x3FB3] =	sst s8  }
0x11: {  	[smem:$0x3FB4] =	sst s9;
	s0 =	simm.s32 @!p0 $0x0  }
0x12: {  	s1 =	sld [smem:$0x3F9A];
	s0 =	simm.s32 @p0 $0x1  }
0x13: {  	[smem:$0x3FB5] =	sst s0;
	s0 =	simm.s32 @!p1 $0x0  }
0x14: {  	s2 =	sld [smem:$0x3F99];
	s0 =	simm.s32 @p1 $0x1  }
0x15: {  	[smem:$0x3FB6] =	sst s0;
	s0 =	simm.s32 @!p2 $0x0  }
0x16: {  	s3 =	sld [smem:$0x3FDB];
	s0 =	simm.s32 @p2 $0x1  }
0x17: {  	s4 =	simm.s32 $0x1BF5;
	[smem:$0x3FB8] =	sst s0  }
0x18: {  	s0 =	sld [smem:$0x3F9B];
	_ =	swait.ge [sflag:s4], $0x0  }
0x19: {  	s7 =	sld [smem:$0x3F9C]  }
0x1a: {  	s8 =	sadd.s32 $0xFFFFE003, lr  }
0x1b: {  	s9 =	sadd.s32 $0xFFFFFEF7, lr;
	s5 =	simm.s32 $0xFFFFFFFF;
	p2 =	slt.u32 s8, $0xFFFFF086  }
0x1c: {  	p1 =	slt.u32 s9, $0xF7A;
	s5 =	simm.s32 @!p2 $0x0  }
0x1d: {  	s5 =	simm.s32 @p1 $0x1;
	p0 =	seq.s32 s7, s2  }
0x1e: {  	s7 =	smul.u32 @!p0 $0xF7A, s2;
	p2 =	seq.s32 @!p0 s5, $0x0  }
0x1f: {  	s9 =	smul.u32 $0xF7A, s1;
	s8 =	simm.s32 @!p0 $0x1BF5;
	p2 =	por !p2, p0  }
0x20: {  	[sflag:s8] =	ssyncset.s32 @!p0 $0xFFFFF086;
	s6 =	sadd.s32 @!p0 s3, s7;
	s7 =	simm.s32 @!p0 $0x108  }
0x21: {  	s3 =	sadd.s32 s3, s9;
	s6 =	sadd.s32 @!p0 $0x88, s6;
	s7 =	simm.s32 @p2 $0x1082  }
0x22: {  	[simem:s7], [sflag:s8] =	dma.local @!p0 [hbm:s6], $0xF7A  }
0x23: {  	s9 =	sor.u32 $0xD0000000, s2;
	s6 =	simm.s32 $0x108;
	_ =	swait.ge @!p0 [sflag:s8], $0x0  }
0x24: {  	s3 =	sadd.s32 $0x88, s3;
	s6 =	simm.s32 @!p1 $0x1082;
	[sflag:s4] =	ssyncset.s32 $0xFFFFF086  }
0x25: {  	[simem:s6], [sflag:s4] =	dma.local [hbm:s3], $0xF7A  }
0x26: {  	[smem:$0x3F9C] =	sst s1;
	(tag) =	ssettag s2;
	_ =	strace s9  }
0x27: {  	s1 =	sld [smem:$0x3FAC]  }
0x28: {  	s2 =	sld [smem:$0x3FAD]  }
0x29: {  	s4 =	sld [smem:$0x3FAF]  }
0x2a: {  	p0 =	seq.s32 s5, $0x0;
	s5 =	sld [smem:$0x3FB0]  }
0x2b: {  	s6 =	sld [smem:$0x3FB1]  }
0x2c: {  	s7 =	sld [smem:$0x3FB2]  }
0x2d: {  	s3 =	simm.s32 $0x108;
	s8 =	sld [smem:$0x3FB3]  }
0x2e: {  	s3 =	simm.s32 @!p0 $0x1082;
	s9 =	sld [smem:$0x3FB4]  }
0x2f: {  	lr =	sadd.s32 s0, s3;
	s0 =	sld [smem:$0x3FAB]  }
0x30: {  	s3 =	sld [smem:$0x3FAE]  }
0x31: {  	[smem:$0x3FB7] =	sst s10  }
0x32: {  	s10 =	sld [smem:$0x3FB5];
	_ =	sdelay $0x3  }
0x33: {  	p0 =	seq.s32 s10, $0x1;
	s10 =	sld [smem:$0x3FB7];
	_ =	sdelay $0x3  }
0x34: {  	[smem:$0x3FB7] =	sst s10  }
0x35: {  	s10 =	sld [smem:$0x3FB6];
	_ =	sdelay $0x3  }
0x36: {  	p1 =	seq.s32 s10, $0x1;
	s10 =	sld [smem:$0x3FB7];
	_ =	sdelay $0x3  }
0x37: {  	[smem:$0x3FB7] =	sst s10  }
0x38: {  	s10 =	sld [smem:$0x3FB8]  }
0x39: {  	_ = 	snop;
	(pc) =	sbr.ind lr, $3  }
0x3a: {  	_ = 	snop  }
0x3b: {  	_ = 	snop  }
0x3c: {  	p2 =	seq.s32 s10, $0x1;
	s10 =	sld [smem:$0x3FB7]  }
0x3d: {  	_ =	shalt  }
0x3e: {  	_ =	shalt  }
0x3f: {  	_ =	shalt  }
0x40: {  	_ =	shalt  }
0x41: {  	_ =	shalt  }
0x42: {  	_ =	shalt  }
0x43: {  	_ =	shalt  }
0x44: {  	_ =	shalt  }
0x45: {  	_ =	shalt  }
0x46: {  	_ =	shalt  }
0x47: {  	_ =	shalt  }
0x48: {  	_ =	shalt  }
0x49: {  	_ =	shalt  }
0x4a: {  	_ =	shalt  }
0x4b: {  	_ =	shalt  }
0x4c: {  	_ =	shalt  }
0x4d: {  	_ =	shalt  }
0x4e: {  	_ =	shalt  }
0x4f: {  	_ =	shalt  }
0x50: {  	_ =	shalt  }
0x51: {  	_ =	shalt  }
0x52: {  	_ =	shalt  }
0x53: {  	_ =	shalt  }
0x54: {  	_ =	shalt  }
0x55: {  	_ =	shalt  }
0x56: {  	_ =	shalt  }
0x57: {  	_ =	shalt  }
0x58: {  	_ =	shalt  }
0x59: {  	_ =	shalt  }
0x5a: {  	_ =	shalt  }
0x5b: {  	_ =	shalt  }
0x5c: {  	_ =	shalt  }
0x5d: {  	_ =	shalt  }
0x5e: {  	_ =	shalt  }
0x5f: {  	_ =	shalt  }
0x60: {  	_ =	shalt  }
0x61: {  	_ =	shalt  }
0x62: {  	_ =	shalt  }
0x63: {  	_ =	shalt  }
0x64: {  	_ =	shalt  }
0x65: {  	_ =	shalt  }
0x66: {  	_ =	shalt  }
0x67: {  	_ =	shalt  }
0x68: {  	_ =	shalt  }
0x69: {  	_ =	shalt  }
0x6a: {  	_ =	shalt  }
0x6b: {  	_ =	shalt  }
0x6c: {  	_ =	shalt  }
0x6d: {  	_ =	shalt  }
0x6e: {  	_ =	shalt  }
0x6f: {  	_ =	shalt  }
0x70: {  	_ =	shalt  }
0x71: {  	_ =	shalt  }
0x72: {  	_ =	shalt  }
0x73: {  	_ =	shalt  }
0x74: {  	_ =	shalt  }
0x75: {  	_ =	shalt  }
0x76: {  	_ =	shalt  }
0x77: {  	_ =	shalt  }
0x78: {  	_ =	shalt  }
0x79: {  	_ =	shalt  }
0x7a: {  	_ =	shalt  }
0x7b: {  	_ =	shalt  }
0x7c: {  	_ =	shalt  }
0x7d: {  	_ =	shalt  }
0x7e: {  	_ =	shalt  }
0x7f: {  	_ =	shalt  }
0x80: {  	_ =	shalt  }
0x81: {  	_ =	shalt  }
0x82: {  	_ =	shalt  }
0x83: {  	_ =	shalt  }
0x84: {  	_ =	shalt  }
0x85: {  	_ =	shalt  }
0x86: {  	_ =	shalt  }
0x87: {  	_ =	shalt  }
.Lfunc_end0:
.L_simem_size_0:
called_computation_lowered:
.L_overlay_start_0:
0x88: {  	s2 =	sld [smem:$0x3FD9]  }
0x89: {  	s3 =	sld [smem:$0x3FFE];
	_ =	sdelay $0x1  }
0x8a: {  	s1 =	srdreg.scid  }
0x8b: {  	s0 =	sand.u32 $0x1, s1  }
0x8c: {  	s18 =	sshll.u32 s0, $0xA;
	s2 =	sadd.s32 s3, s2  }
0x8d: {  	s2 =	sadd.s32 s2, s18  }
0x8e: {  	[smem:$0x3FC3] =	sst s2  }
0x8f: {  	_ = 	snop  }
0x90: {  	s2 =	sld [smem:$0x3FC9]  }
0x91: {  	s19 =	sld [smem:$0x3FC8]  }
0x92: {  	s4 =	sld [smem:$0x3FD0];
	(tm) =	ssettm $0x1  }
0x93: {  	s5 =	sld [smem:$0x3FFB];
	_ =	sdelay $0x3  }
0x94: {  	_ =	strace s5  }
0x95: {  	s5 =	sld [smem:$0x3FFC];
	_ =	sdelay $0x3  }
0x96: {  	_ =	strace s5  }
0x97: {  	s5 =	sld [smem:$0x3FFD];
	_ =	sdelay $0x3  }
0x98: {  	_ =	strace s5  }
0x99: {  	_ =	strace $0x8FFFFFFF  }
0x9a: {  	s20 =	sld [smem:$0x3FDB];
	_ =	sdelay $0x1  }
0x9b: {  	s6 =	simm.s32 $_scs_section_size  }
0x9c: {  	s7 =	simm.s32 $_size__tile_overlayer_lowered;
	s8 =	simm.s32 $_tile_overlayer_lowered  }
0x9d: {  	s23 =	simm.s32 $0x1BFF;
	s22 =	sshll.u32 s8, $0x1;
	s5 =	sadd.s32 s6, s20  }
0x9e: {  	s9 =	simm.s32 $0x0;
	s21 =	sshll.u32 s7, $0x1;
	s7 =	sadd.s32 s22, s5  }
0x9f: {  	[timem:s9], [sflag:s23] =	dma.local [hbm:s7], s21  }
0xa0: {  	_ =	swait.ge [sflag:s23], s21  }
0xa1: {  	s6 =	ssub.s32 $0x0, s21;
	[sflag:s23] =	ssyncset.done $0x0  }
0xa2: {  	[sflag:s23] =	ssyncadd.s32 s6;
	_ =	sdelay $0x1  }
0xa3: {  	s24 =	simm.s32 $0x1B8B  }
0xa4: {  	_ =	swait.ge [sflag:s24], $0x1  }
0xa5: {  	[sflag:s24] =	ssyncset.done $0x0  }
0xa6: {  	s25 =	simm.s32 $0x1B8E;
	[sflag:s24] =	ssyncadd.s32 $0xFFFFFFFF  }
0xa7: {  	s26 =	simm.s32 $execute0_lowered;
	[smem:$0x3FD2] =	sst s25  }
0xa8: {  	s6 =	sshll.u32 s26, $0x1;
	_ =	strace $0x80000046;
	[dreg:$0x1] =	wrdreg $0xFFFFFFFF  }
0xa9: {  	s28 =	simm.s32 $_size_execute0_lowered;
	s5 =	sadd.s32 s5, s6;
	[dreg:$0x0] =	wrdreg $0x0  }
0xaa: {  	s6 =	sshll.u32 s28, $0x1;
	[dreg:$0x2] =	wrdreg s5  }
0xab: {  	[dreg:$0x3] =	wrdreg s6  }
0xac: {  	[dreg:$0x4] =	wrdreg $0xC0  }
0xad: {  	_ =	task [dreg:s9], $0x5FFFF  }
0xae: {  	[dreg:$0x1] =	wrdreg $0xFFFFFFFF  }
0xaf: {  	[dreg:$0x0] =	wrdreg $0x60  }
0xb0: {  	[dreg:$0x2] =	wrdreg s19  }
0xb1: {  	[dreg:$0x3] =	wrdreg s2  }
0xb2: {  	[dreg:$0x4] =	wrdreg s4  }
0xb3: {  	[dreg:$0x5] =	wrdreg $0x18000  }
0xb4: {  	[dreg:$0x6] =	wrdreg $0x9  }
0xb5: {  	_ =	task.clear_ibuf [dreg:s9], $0x7FFFF;
	_ =	strace $0x90000046  }
0xb6: {  	s29 =	simm.s32 $0x9;
	_ =	strace $0x80000048  }
0xb7: {  	_ =	swait.ge [sflag:s29], $0x1  }
0xb8: {  	[sflag:s29] =	ssyncadd.s32 $0xFFFFFFFF  }
0xb9: {  	_ =	strace $0x90000048  }
0xba: {  	_ =	sfence  }
0xbb: {  	s30 =	sld [smem:$0x0];
	_ =	sdelay $0x2  }
0xbc: {  	s31 =	sshll.u32 s1, $0xD;
	s1 =	sshrl.u32 s1, $0x2  }
0xbd: {  	s3 =	sand.u32 $0x4000, s31;
	s1 =	sadd.s32 s1, s30  }
0xbe: {  	s0 =	sor.u32 s3, s0;
	s1 =	sshll.u32 s1, $0x11  }
0xbf: {  	s0 =	sor.u32 s1, s0  }
0xc0: {  	s0 =	sadd.s32 $0x8F2B, s0  }
0xc1: {  	[sflag:s0] =	ssyncadd.remote.s32 $0x1  }
0xc2: {  	_ =	sfence.sel $0xFFFF  }
0xc3: {  	[dreg:$0x0] =	wrdreg $0xFFFFFFFF;
	(pc) =	sbr.abs _section_cstart, $3  }
0xc4: {  	[dreg:$0x1] =	wrdreg $0xFFFFFFFF  }
0xc5: {  	_ =	task.clear_ibuf [dreg:s9], $0x2FFFF;
	_ =	strace $0x9FFFFFFF  }
0xc6: {  	(tm) =	ssettm $0x7FFFFFFF  }
0xc7: {  	_ =	shalt  }
tec
execute0_lowered:
.L_overlay_start_1:
0x0: {  	(tag) =	ssettag $0x1  }
0x1: {  	s0 =	rddreg [dreg:$0x0]  }
0x2: {  	s3 =	rddreg [dreg:$0x1]  }
0x3: {  	s14 =	rddreg [dreg:$0x2]  }
0x4: {  	s1 =	rddreg [dreg:$0x3];
	s4 =	srdreg.scid;
	s2 =	simm.s32 $0x0  }
0x5: {  	s7 =	stileid.u32;
	s17 =	simm.s32 $0x2;
	s19 =	simm.s32 $0x1  }
0x6: {  	s20 =	simm.s32 $0x80;
	s30 =	simm.s32 $0xA00;
	s31 =	simm.s32 $0xE00  }
0x7: {  	s18 =	simm.s32 $0xB00;
	s21 =	simm.s32 $0xF00;
	s22 =	simm.s32 $0xB80  }
0x8: {  	s23 =	simm.s32 $0xF80;
	s24 =	simm.s32 $0x10;
	s9 =	sand.u32 $0x1, s4  }
0x9: {  	[smem:$0x7FF] =	sst s2;
	s10 =	sshll.u32 s7, $0x7;
	s11 =	sshll.u32 s7, $0xE  }
0xa: {  	s4 =	ssub.s32 $0x2, s9;
	_ =	strace $0x80000047;
	s6 =	sshll.u32 s9, $0xB  }
0xb: {  	s12 =	sshll.u32 s9, $0x12;
	s16 =	sand.u32 $0x380, s10;
	s5 =	sshrl.u32 s4, $0x1  }
0xc: {  	s13 =	sor.u32 s10, s6;
	s15 =	ssub.s32 s4, s5;
	s4 =	sadd.s32 s11, s1  }
0xd: {  	s11 =	sand.u32 $0x20000, s11;
	s5 =	sadd.s32 $0x800, s4;
	s6 =	sadd.s32 $0x1000, s4  }
0xe: {  	s7 =	sadd.s32 $0x1800, s4;
	s8 =	sadd.s32 $0x2000, s4;
	s9 =	sadd.s32 $0x2800, s4  }
0xf: {  	s12 =	sor.u32 s12, s11;
	s10 =	sadd.s32 $0x3000, s4;
	s11 =	sadd.s32 $0x3800, s4  }
0x10: {  	s15 =	smax.u32 s15, $0x1;
	s16 =	sor.u32 s16, s12;
	s12 =	sadd.s32 s0, s13  }
0x11: {  	s13 =	sadd.s32 s3, s13;
	s0 =	simm.s32 $0xA80;
	s29 =	sshrl.u32 s16, $0x3  }
0x12: {  	v0 =	vimm.f32 $0.0e+00;
	s3 =	simm.s32 $0xE80;
	s16 =	simm.s32 $0x1000;
	s14 =	sadd.s32 s14, s29  }
.LBB2_1:
0x13: {  	s25 =	simm.s32 $0x40;
	s26 =	simm.s32 $0x0  }
.LBB2_2:
0x14: {  	p0 =	sne.s32 s25, $0x1FC0;
	[tilespmem:s26+$0x1000] =	vst v0;
	s26 =	smov.u32 s25;
	s25 =	sadd.s32 $0x40, s25  }
.Ltmp0:
0x15: {  	(pc) =	sbr.rel @p0 .LBB2_2-.Ltmp0, $2  }
0x16: {  	_ =	sdelay $0x2  }
0x17: {  	s26 =	sshra.s32 s26, $0x2  }
0x18: {  	[tilespmem:s26+$0x1000] =	vst v0  }
0x19: {  	[spmem:s4] =	stream.linear.scatter [tilespmem:s16], [sflag:$0x1], $0x800, $0x38;
	[tilespmem:$0x5800] =	vst v63  }
0x1a: {  	_ = 	snop  }
0x1b: {  	[spmem:s5] =	stream.linear.scatter [tilespmem:s16], [sflag:$0x1], $0x800, $0x38;
	[tilespmem:$0x5800] =	vst v63  }
0x1c: {  	_ = 	snop  }
0x1d: {  	[spmem:s6] =	stream.linear.scatter [tilespmem:s16], [sflag:$0x1], $0x800, $0x38;
	[tilespmem:$0x5800] =	vst v63  }
0x1e: {  	_ = 	snop  }
0x1f: {  	[spmem:s7] =	stream.linear.scatter [tilespmem:s16], [sflag:$0x1], $0x800, $0x38;
	[tilespmem:$0x5800] =	vst v63  }
0x20: {  	_ = 	snop  }
0x21: {  	[spmem:s8] =	stream.linear.scatter [tilespmem:s16], [sflag:$0x1], $0x800, $0x38;
	[tilespmem:$0x5800] =	vst v63  }
0x22: {  	_ = 	snop  }
0x23: {  	[spmem:s9] =	stream.linear.scatter [tilespmem:s16], [sflag:$0x1], $0x800, $0x38;
	[tilespmem:$0x5800] =	vst v63  }
0x24: {  	_ = 	snop  }
0x25: {  	[spmem:s10] =	stream.linear.scatter [tilespmem:s16], [sflag:$0x1], $0x800, $0x38;
	[tilespmem:$0x5800] =	vst v63  }
0x26: {  	_ = 	snop  }
0x27: {  	[spmem:s11] =	stream.linear.scatter [tilespmem:s16], [sflag:$0x1], $0x800, $0x38;
	[tilespmem:$0x5800] =	vst v63  }
0x28: {  	s25 =	simm.s32 $0x0  }
0x29: {  	[tilespmem:s25], [sflag:$0x2] =	stream.linear.gather [hbm4b:s12+s25], $0x400, $0x38;
	[tilespmem:$0x5800] =	vst v63  }
0x2a: {  	_ =	swait.ge [sflag:s17], $0x400  }
0x2b: {  	[sflag:s17] =	ssyncset.done $0x0  }
0x2c: {  	s29 =	simm.s32 $0x400;
	[sflag:s17] =	ssyncadd.s32 $0xFFFFFC00  }
0x2d: {  	[tilespmem:s29], [sflag:$0x2] =	stream.linear.gather [hbm4b:s13+s25], $0x400, $0x38;
	[tilespmem:$0x5800] =	vst v63  }
0x2e: {  	_ =	swait.ge [sflag:s17], $0x400  }
0x2f: {  	[sflag:s17] =	ssyncset.done $0x0  }
0x30: {  	s26 =	simm.s32 $0x0;
	[sflag:s17] =	ssyncadd.s32 $0xFFFFFC00  }
0x31: {  	v1 =	vld [tilespmem:s26+$0x400];
	_ =	sdelay $0x1  }
0x32: {  	v2 =	vld [tilespmem:s26+$0x0];
	_ =	sdelay $0x2  }
0x33: {  	s25 =	simm.s32 $0x10;
	v3 =	vshrl.u32 v1, $0x7  }
0x34: {  	v4 =	vand.u32 $0x7F, v1;
	v1 =	vld [tilespmem:s25+$0x400];
	v3 =	vmul.u32 $0xFFFF, v3  }
0x35: {  	v5 =	vshll.u32 v2, $0x7;
	v2 =	vld [tilespmem:s25+$0x0]  }
0x36: {  	v4 =	vor.u32 v5, v4;
	v3 =	vadd.s32 $0x1, v3  }
0x37: {  	s28 =	simm.s32 $0x80;
	[tilespmem:s26+$0x800] =	vst v4;
	v3 =	vcvt.s32.f32 v3  }
.LBB2_4:
0x38: {  	p0 =	sne.s32 s28, $0xFC0  }
.Ltmp1:
0x39: {  	s29 =	sshra.s32 s28, $0x2;
	s28 =	sadd.s32 $0x40, s28;
	v4 =	vand.u32 $0x7F, v1;
	v5 =	vshrl.u32 v1, $0x7;
	[tilespmem:s26+$0xC00] =	vst v3;
	(pc) =	sbr.rel @p0 .LBB2_4-.Ltmp1, $4  }
0x3a: {  	s26 =	smov.u32 s25;
	s25 =	smov.u32 s29;
	v1 =	vld [tilespmem:s29+$0x400];
	v3 =	vshll.u32 v2, $0x7;
	v5 =	vmul.u32 $0xFFFF, v5  }
0x3b: {  	v2 =	vld [tilespmem:s25+$0x0];
	v3 =	vor.u32 v3, v4  }
0x3c: {  	[tilespmem:s26+$0x800] =	vst v3;
	v3 =	vadd.s32 $0x1, v5  }
0x3d: {  	v3 =	vcvt.s32.f32 v3  }
0x3e: {  	_ = 	snop  }
0x3f: {  	v4 =	vshrl.u32 v1, $0x7  }
0x40: {  	v4 =	vmul.u32 $0xFFFF, v4;
	_ =	sdelay $0x1  }
0x41: {  	v1 =	vand.u32 $0x7F, v1;
	v2 =	vshll.u32 v2, $0x7;
	v4 =	vadd.s32 $0x1, v4  }
0x42: {  	[tilespmem:s26+$0xC00] =	vst v3;
	v1 =	vor.u32 v2, v1;
	v2 =	vcvt.s32.f32 v4  }
0x43: {  	[tilespmem:s25+$0x800] =	vst v1  }
0x44: {  	[tilespmem:s25+$0xC00] =	vst v2  }
0x45: {  	_ =	swait.ge [sflag:s19], $0x800  }
0x46: {  	[sflag:s19] =	ssyncset.done $0x0  }
0x47: {  	[sflag:s19] =	ssyncadd.s32 $0xFFFFF800  }
0x48: {  	_ =	swait.ge [sflag:s19], $0x800  }
0x49: {  	[sflag:s19] =	ssyncset.done $0x0  }
0x4a: {  	[sflag:s19] =	ssyncadd.s32 $0xFFFFF800  }
0x4b: {  	_ =	swait.ge [sflag:s19], $0x800  }
0x4c: {  	[sflag:s19] =	ssyncset.done $0x0  }
0x4d: {  	[sflag:s19] =	ssyncadd.s32 $0xFFFFF800  }
0x4e: {  	_ =	swait.ge [sflag:s19], $0x800  }
0x4f: {  	[sflag:s19] =	ssyncset.done $0x0  }
0x50: {  	[sflag:s19] =	ssyncadd.s32 $0xFFFFF800  }
0x51: {  	_ =	swait.ge [sflag:s19], $0x800  }
0x52: {  	[sflag:s19] =	ssyncset.done $0x0  }
0x53: {  	[sflag:s19] =	ssyncadd.s32 $0xFFFFF800  }
0x54: {  	_ =	swait.ge [sflag:s19], $0x800  }
0x55: {  	[sflag:s19] =	ssyncset.done $0x0  }
0x56: {  	[sflag:s19] =	ssyncadd.s32 $0xFFFFF800  }
0x57: {  	_ =	swait.ge [sflag:s19], $0x800  }
0x58: {  	[sflag:s19] =	ssyncset.done $0x0  }
0x59: {  	[sflag:s19] =	ssyncadd.s32 $0xFFFFF800  }
0x5a: {  	_ =	swait.ge [sflag:s19], $0x800  }
0x5b: {  	[sflag:s19] =	ssyncset.done $0x0  }
0x5c: {  	[sflag:s19] =	ssyncadd.s32 $0xFFFFF800  }
0x5d: {  	s28 =	simm.s32 $0x800;
	s29 =	simm.s32 $0xC00;
	[bflag:$0x0] =	sbarrier.arrive $0xFFFF  }
0x5e: {  	[spmem:s1] =	stream.indirect.scatter.add.f32 [tilespmem:s29], [sflag:$0x1], $0x1, s28, s20, $0xb8;
	[tilespmem:$0x5800] =	vst v63  }
0x5f: {  	s28 =	simm.s32 $0x880;
	s29 =	simm.s32 $0xC80  }
0x60: {  	[spmem:s1] =	stream.indirect.scatter.add.f32 [tilespmem:s29], [sflag:$0x1], $0x1, s28, s20, $0xb8;
	[tilespmem:$0x5800] =	vst v63  }
0x61: {  	s28 =	simm.s32 $0x900;
	s29 =	simm.s32 $0xD00  }
0x62: {  	[spmem:s1] =	stream.indirect.scatter.add.f32 [tilespmem:s29], [sflag:$0x1], $0x1, s28, s20, $0xb8;
	[tilespmem:$0x5800] =	vst v63  }
0x63: {  	s28 =	simm.s32 $0x980;
	s29 =	simm.s32 $0xD80  }
0x64: {  	[spmem:s1] =	stream.indirect.scatter.add.f32 [tilespmem:s29], [sflag:$0x1], $0x1, s28, s20, $0xb8;
	[tilespmem:$0x5800] =	vst v63  }
0x65: {  	_ = 	snop  }
0x66: {  	[spmem:s1] =	stream.indirect.scatter.add.f32 [tilespmem:s31], [sflag:$0x1], $0x1, s30, s20, $0xb8;
	[tilespmem:$0x5800] =	vst v63  }
0x67: {  	_ = 	snop  }
0x68: {  	[spmem:s1] =	stream.indirect.scatter.add.f32 [tilespmem:s3], [sflag:$0x1], $0x1, s0, s20, $0xb8;
	[tilespmem:$0x5800] =	vst v63  }
0x69: {  	_ = 	snop  }
0x6a: {  	[spmem:s1] =	stream.indirect.scatter.add.f32 [tilespmem:s21], [sflag:$0x1], $0x1, s18, s20, $0xb8;
	[tilespmem:$0x5800] =	vst v63  }
0x6b: {  	_ = 	snop  }
0x6c: {  	[spmem:s1] =	stream.indirect.scatter.add.f32 [tilespmem:s23], [sflag:$0x1], $0x1, s22, s20, $0xb8;
	[tilespmem:$0x5800] =	vst v63  }
0x6d: {  	_ =	swait.ge [sflag:s19], $0x80  }
0x6e: {  	[sflag:s19] =	ssyncset.done $0x0  }
0x6f: {  	[sflag:s19] =	ssyncadd.s32 $0xFFFFFF80  }
0x70: {  	_ =	swait.ge [sflag:s19], $0x80  }
0x71: {  	[sflag:s19] =	ssyncset.done $0x0  }
0x72: {  	[sflag:s19] =	ssyncadd.s32 $0xFFFFFF80  }
0x73: {  	_ =	swait.ge [sflag:s19], $0x80  }
0x74: {  	[sflag:s19] =	ssyncset.done $0x0  }
0x75: {  	[sflag:s19] =	ssyncadd.s32 $0xFFFFFF80  }
0x76: {  	_ =	swait.ge [sflag:s19], $0x80  }
0x77: {  	[sflag:s19] =	ssyncset.done $0x0  }
0x78: {  	[sflag:s19] =	ssyncadd.s32 $0xFFFFFF80  }
0x79: {  	_ =	swait.ge [sflag:s19], $0x80  }
0x7a: {  	[sflag:s19] =	ssyncset.done $0x0  }
0x7b: {  	[sflag:s19] =	ssyncadd.s32 $0xFFFFFF80  }
0x7c: {  	_ =	swait.ge [sflag:s19], $0x80  }
0x7d: {  	[sflag:s19] =	ssyncset.done $0x0  }
0x7e: {  	[sflag:s19] =	ssyncadd.s32 $0xFFFFFF80  }
0x7f: {  	_ =	swait.ge [sflag:s19], $0x80  }
0x80: {  	[sflag:s19] =	ssyncset.done $0x0  }
0x81: {  	[sflag:s19] =	ssyncadd.s32 $0xFFFFFF80  }
0x82: {  	s2 =	sadd.s32 $0x1, s2;
	_ =	swait.ge [sflag:s19], $0x80  }
0x83: {  	p0 =	sne.s32 s2, s15;
	s28 =	stileid.u32;
	[sflag:s19] =	ssyncset.done $0x0  }
0x84: {  	s29 =	sshrl.u32 s4, $0x3;
	s25 =	sshll.u32 s28, $0x6;
	[sflag:s19] =	ssyncadd.s32 $0xFFFFFF80  }
.Ltmp2:
0x85: {  	s25 =	sor.u32 $0x1C02, s25;
	[bflag:$0x0] =	sbarrier.arrive $0xFFFF;
	(pc) =	sbr.rel @p0 .LBB2_1-.Ltmp2, $4  }
0x86: {  	[hbm:s14@s20], [sflag:s25] =	dma.strided [spmem:s29@s24], $0x800, s19, $0x10   }
0x87: {  	_ =	swait.ge [sflag:s17], $0x800  }
0x88: {  	[sflag:s17] =	ssyncset.done $0x0  }
0x89: {  	[sflag:s17] =	ssyncadd.s32 $0xFFFFF800  }
0x8a: {  	_ =	sfence.sel $0x180000  }
0x8b: {  	[bflag:$0x0] =	sbarrier.arrive $0xFFFF  }
0x8c: {  	_ =	strace $0x90000047  }
0x8d: {  	s0 =	stileid.u32;
	[bflag:$0x2] =	sbarrier.arrive $0xFFFF  }
0x8e: {  	p0 =	sne.s32 s0, $0x0;
	s0 =	rddreg [dreg:$0x4]  }
0x8f: {  	s0 =	sadd.s32 @!p0 $0x100000, s0  }
0x90: {  	[sflag:s0] =	ssyncadd.tile.s32 @!p0 $0x1;
	_ =	shalt  }
.Lfunc_end2:
_tile_overlayer_lowered:
.L_overlay_start_2:
0x91: {  	(tag) =	ssettag $0x2  }
0x92: {  	s0 =	rddreg [dreg:$0x0];
	s2 =	stileid.u32  }
0x93: {  	s1 =	rddreg [dreg:$0x1];
	p0 =	sne.s32 s2, $0x0  }
0x94: {  	s3 =	rddreg [dreg:$0x2];
	[bflag:$0x3] =	sbarrier.arrive $0xFFFF;
	s2 =	simm.s32 @!p0 $0x1C02  }
0x95: {  	[timem:s3], [sflag:s2] =	dma.local @!p0 [hbm:s0], s1  }
0x96: {  	s0 =	simm.s32 @!p0 $0x2  }
0x97: {  	_ =	swait.ge @!p0 [sflag:s0], s1  }
0x98: {  	s1 =	ssub.s32 @!p0 $0x0, s1;
	[sflag:s0] =	ssyncset.done @!p0 $0x0  }
0x99: {  	[sflag:s0] =	ssyncadd.s32 @!p0 s1  }
0x9a: {  	[bflag:$0x3] =	sbarrier.arrive $0xFFFF  }
0x9b: {  	_ =	shalt  }

</sc_bundles>
